<compile_context>
chip_gen: v7x
topology: tpu7x:2x2x1
jax: 0.10.2.dev20260603
libtpu: 0.0.44.dev20260713+nightly
codegen_flags: <defaults>
</compile_context>

<pallas_src>
import functools

import jax
import jax.numpy as jnp
from jax import lax
from jax.experimental import pallas as pl
from jax.experimental.pallas import tpu as pltpu
from jax.experimental.pallas import tpu_sc as plsc

H = 128
H2 = 256
N = 10000
E = 320000

NC = 2
NS = 16
NW = NC * NS
CB = 64
CPW = 160
ACC_ROWS = 10240
DUMMY_ROW = N
ZCHUNK = ACC_ROWS // NS // CB
OUT_ROWS_PER_TILE = ACC_ROWS // NS


NBUF = 4
IB = 32


def _sc_agg_body(x_hbm, src_hbm, dst_hbm, out_hbm, src_v, dst_v, acc,
                 *bufs_and_sems):
    rows = bufs_and_sems[:NBUF]
    gsems = bufs_and_sems[NBUF:]
    c = lax.axis_index("c")
    s = lax.axis_index("s")
    wid = s * NC + c

    zv = jnp.zeros((16,), jnp.float32)

    def zrow(r, carry):
        for k in range(H // 16):
            rows[0][r, pl.ds(k * 16, 16)] = zv
        return carry

    lax.fori_loop(0, CB, zrow, 0)
    for k in range(ZCHUNK):
        pltpu.sync_copy(rows[0], acc.at[pl.ds(s * ZCHUNK * CB + k * CB, CB)])

    plsc.subcore_barrier()

    def outer(t, carry):
        pltpu.sync_copy(src_hbm.at[wid, pl.ds(t * IB, IB)], src_v)
        pltpu.sync_copy(dst_hbm.at[wid, pl.ds(t * IB, IB)], dst_v)
        for b in range(NBUF):
            pltpu.async_copy(x_hbm.at[src_v.at[b]], rows[b], gsems[b])

        def inner(u, carry2):
            j0 = u * NBUF
            for b in range(NBUF):
                j = j0 + b
                pltpu.make_async_copy(x_hbm.at[src_v.at[j]], rows[b],
                                      gsems[b]).wait()
                pltpu.sync_copy(rows[b], acc.at[dst_v.at[j]], add=True)

                @pl.when(j + NBUF < IB)
                def _():
                    pltpu.async_copy(x_hbm.at[src_v.at[j + NBUF]], rows[b],
                                     gsems[b])
            return carry2

        lax.fori_loop(0, IB // NBUF, inner, 0)
        return carry

    lax.fori_loop(0, CPW // IB, outer, 0)

    plsc.subcore_barrier()
    pltpu.sync_copy(
        acc.at[pl.ds(s * OUT_ROWS_PER_TILE, OUT_ROWS_PER_TILE)],
        out_hbm.at[c, pl.ds(s * OUT_ROWS_PER_TILE, OUT_ROWS_PER_TILE)],
    )


def _make_sc_agg():
    mesh = plsc.VectorSubcoreMesh(core_axis_name="c", subcore_axis_name="s")
    return pl.kernel(
        _sc_agg_body,
        out_type=jax.ShapeDtypeStruct((NC, ACC_ROWS, H), jnp.float32),
        mesh=mesh,
        scratch_types=[
            pltpu.VMEM((IB, CB), jnp.int32),
            pltpu.VMEM((IB, CB), jnp.int32),
            pltpu.VMEM_SHARED((ACC_ROWS, H), jnp.float32),
        ] + [pltpu.VMEM((CB, H), jnp.float32) for _ in range(NBUF)]
          + [pltpu.SemaphoreType.DMA for _ in range(NBUF)],
    )


RB = 1000
NBLK = N // RB


def _stats_body(p_ref, s_out, g_out):
    i = pl.program_id(0)
    hn = p_ref[0] + p_ref[1]
    ps = jnp.sum(hn, axis=0, keepdims=True)
    pg = lax.dot_general(hn, hn, (((0,), (0,)), ((), ())),
                         preferred_element_type=jnp.float32)

    @pl.when(i == 0)
    def _():
        s_out[...] = ps
        g_out[...] = pg

    @pl.when(i > 0)
    def _():
        s_out[...] = s_out[...] + ps
        g_out[...] = g_out[...] + pg


def _mlp_body(p_ref, x_ref, w1_ref, g1_ref, be_ref, w2_ref, b2_ref,
              s_ref, gram_ref, o_ref):
    w1 = w1_ref[...]
    mean_hn = s_ref[...] * (1.0 / N)
    mu1 = jnp.dot(mean_hn, w1, preferred_element_type=jnp.float32)
    gw = jnp.dot(gram_ref[...], w1, preferred_element_type=jnp.float32)
    m2 = jnp.sum(w1 * gw, axis=0, keepdims=True) * (1.0 / N)
    var = m2 - mu1 * mu1
    inv = lax.rsqrt(var + 1e-5)
    a = inv * g1_ref[...]
    sh = be_ref[...] - mu1 * a

    hn = p_ref[0] + p_ref[1]
    h = jnp.dot(hn, w1, preferred_element_type=jnp.float32)
    h = jnp.maximum(h * a + sh, 0.0)
    o_ref[...] = (x_ref[...] + b2_ref[...]
                  + jnp.dot(h, w2_ref[...], preferred_element_type=jnp.float32))


def kernel(x, edge_index, W1, b1, gamma1, beta1, W2, b2):
    del b1
    ei = edge_index.astype(jnp.int32)
    pad = NW * CPW * CB - E
    src_p = jnp.concatenate([ei[0], jnp.zeros((pad,), jnp.int32)]).reshape(NW, CPW, CB)
    dst_p = jnp.concatenate([ei[1], jnp.full((pad,), DUMMY_ROW, jnp.int32)]).reshape(NW, CPW, CB)

    partials = _make_sc_agg()(x, src_p, dst_p)

    s_sum, gram = pl.pallas_call(
        _stats_body,
        grid=(NBLK,),
        in_specs=[pl.BlockSpec((NC, RB, H), lambda i: (0, i, 0))],
        out_specs=[
            pl.BlockSpec((1, H), lambda i: (0, 0)),
            pl.BlockSpec((H, H), lambda i: (0, 0)),
        ],
        out_shape=[
            jax.ShapeDtypeStruct((1, H), jnp.float32),
            jax.ShapeDtypeStruct((H, H), jnp.float32),
        ],
    )(partials)

    out = pl.pallas_call(
        _mlp_body,
        grid=(NBLK,),
        in_specs=[
            pl.BlockSpec((NC, RB, H), lambda i: (0, i, 0)),
            pl.BlockSpec((RB, H), lambda i: (i, 0)),
            pl.BlockSpec((H, H2), lambda i: (0, 0)),
            pl.BlockSpec((1, H2), lambda i: (0, 0)),
            pl.BlockSpec((1, H2), lambda i: (0, 0)),
            pl.BlockSpec((H2, H), lambda i: (0, 0)),
            pl.BlockSpec((1, H), lambda i: (0, 0)),
            pl.BlockSpec((1, H), lambda i: (0, 0)),
            pl.BlockSpec((H, H), lambda i: (0, 0)),
        ],
        out_specs=pl.BlockSpec((RB, H), lambda i: (i, 0)),
        out_shape=jax.ShapeDtypeStruct((N, H), jnp.float32),
    )(partials, x, W1, gamma1.reshape(1, H2), beta1.reshape(1, H2),
      W2, b2.reshape(1, H), s_sum, gram)

    return out

# --- scband reference (transcript-rebuilt; emitter-appended) ---
"""Pipeline reference for scband-ginconv-30777735644029 (READ-ONLY COPY).

The authoritative reference and input builder live on the scoring server;
editing this copy changes nothing except your own understanding.
"""

import jax, jax.numpy as jnp
import numpy as np

HIDDEN = 128
N_NODES = 10000
N_EDGES = 320000


def setup_inputs(seed: int = 0) -> dict:
    key = jax.random.key(seed)
    ks = jax.random.split(key, 8)
    x = jax.random.normal(ks[0], (N_NODES, HIDDEN), dtype=jnp.float32)
    edge_index = jax.random.randint(ks[1], (2, N_EDGES), 0, N_NODES, dtype=jnp.int64)
    # MLP params: Linear(128,256) -> BN(256) -> ReLU -> Dropout(0) -> Linear(256,128)
    W1 = jax.random.normal(ks[2], (HIDDEN, 2 * HIDDEN), dtype=jnp.float32) * (1.0 / np.sqrt(HIDDEN))
    b1 = jnp.zeros((2 * HIDDEN,), dtype=jnp.float32)
    gamma1 = jnp.ones((2 * HIDDEN,), dtype=jnp.float32)
    beta1 = jnp.zeros((2 * HIDDEN,), dtype=jnp.float32)
    W2 = jax.random.normal(ks[3], (2 * HIDDEN, HIDDEN), dtype=jnp.float32) * (1.0 / np.sqrt(2 * HIDDEN))
    b2 = jnp.zeros((HIDDEN,), dtype=jnp.float32)
    return {"x": x, "edge_index": edge_index, "W1": W1, "b1": b1,
            "gamma1": gamma1, "beta1": beta1, "W2": W2, "b2": b2}


def reference(x, edge_index, W1, b1, gamma1, beta1, W2, b2):
    src = edge_index[0]
    dst = edge_index[1]
    # message: copy_u('h','m'); reduce: sum -> scatter-add of x[src] into dst
    h_neigh = jnp.zeros_like(x).at[dst].add(x[src])
    # MLP (dropout=0.0, BatchNorm1d in training mode uses batch stats)
    h = h_neigh @ W1 + b1
    mean = jnp.mean(h, axis=0)
    var = jnp.var(h, axis=0)
    h = (h - mean) / jnp.sqrt(var + 1e-5) * gamma1 + beta1
    h = jax.nn.relu(h)
    h = h @ W2 + b2
    return x + h

if __name__ == "__main__":
    import jax
    _d = setup_inputs()
    print(jax.jit(kernel)(*tuple(_d.values())))

</pallas_src>

<mosaic_0001>
#map = affine_map<(d0, d1) -> (0, 0)>
#map1 = affine_map<(d0, d1) -> (0, 0, 0)>
module attributes {stable_mosaic.version = 14 : i64} {
  func.func @_sc_agg_body(%arg0: i32, %arg1: i32, %arg2: memref<10000x128xf32, #tpu.memory_space<hbm>>, %arg3: memref<32x160x64xi32, #tpu.memory_space<hbm>>, %arg4: memref<32x160x64xi32, #tpu.memory_space<hbm>>, %arg5: memref<2x10240x128xf32, #tpu.memory_space<hbm>>, %arg6: memref<32x64xi32, #tpu.memory_space<vmem>>, %arg7: memref<32x64xi32, #tpu.memory_space<vmem>>, %arg8: memref<10240x128xf32, #tpu.memory_space<vmem_shared>>, %arg9: memref<64x128xf32, #tpu.memory_space<vmem>>, %arg10: memref<64x128xf32, #tpu.memory_space<vmem>>, %arg11: memref<64x128xf32, #tpu.memory_space<vmem>>, %arg12: memref<64x128xf32, #tpu.memory_space<vmem>>, %arg13: memref<!tpu.dma_semaphore, #tpu.memory_space<semaphore_mem>>, %arg14: memref<!tpu.dma_semaphore, #tpu.memory_space<semaphore_mem>>, %arg15: memref<!tpu.dma_semaphore, #tpu.memory_space<semaphore_mem>>, %arg16: memref<!tpu.dma_semaphore, #tpu.memory_space<semaphore_mem>>) attributes {dimension_semantics = [#tpu.dimension_semantics<core_parallel>, #tpu.dimension_semantics<subcore_parallel>], iteration_bounds = array<i64: 2, 16>, scalar_prefetch = 0 : i64, scratch_operands = 11 : i64, tpu.core_type = #tpu.core_type<sc_vector_subcore>, window_params = [{transform_indices = #map}, {transform_indices = #map1}, {transform_indices = #map1}, {transform_indices = #map1}]} {
    %mul3A = arith.constant 2 : i32
    %mul3A_0 = arith.muli %arg1, %mul3A : i32
    %add3A = arith.addi %mul3A_0, %arg0 : i32
    %broadcast_in_dim3A = arith.constant 0.000000e+00 : f32
    %broadcast_in_dim3A_1 = vector.broadcast %broadcast_in_dim3A : f32 to vector<16xf32>
    %scan3A = arith.constant 0 : i32
    %scan3A_2 = arith.constant 0 : i32
    %scan3A_3 = arith.constant 64 : i32
    %scan3A_4 = arith.addi %scan3A_2, %scan3A_3 : i32
    %scan3A_5 = arith.constant 1 : i32
    scf.for %scan3A_78 = %scan3A_2 to %scan3A_4 step %scan3A_5  : i32 {
      %swap3A = arith.index_cast %scan3A_78 : i32 to index
      %swap3A_79 = arith.constant 0 : index
      %swap3A_80 = tpu.vector_load %arg9[%swap3A, %swap3A_79] {strides = array<i32>} : memref<64x128xf32, #tpu.memory_space<vmem>>, vector<1x16xf32>,
      %swap3A_81 = vector.shape_cast %swap3A_80 : vector<1x16xf32> to vector<16xf32>
      %swap3A_82 = vector.shape_cast %broadcast_in_dim3A_1 : vector<16xf32> to vector<1x16xf32>
      tpu.vector_store %arg9[%swap3A, %swap3A_79], %swap3A_82 {strides = array<i32>} : memref<64x128xf32, #tpu.memory_space<vmem>>, vector<1x16xf32>,
      %swap3A_83 = arith.index_cast %scan3A_78 : i32 to index
      %swap3A_84 = arith.constant 16 : index
      %swap3A_85 = tpu.vector_load %arg9[%swap3A_83, %swap3A_84] {strides = array<i32>} : memref<64x128xf32, #tpu.memory_space<vmem>>, vector<1x16xf32>,
      %swap3A_86 = vector.shape_cast %swap3A_85 : vector<1x16xf32> to vector<16xf32>
      %swap3A_87 = vector.shape_cast %broadcast_in_dim3A_1 : vector<16xf32> to vector<1x16xf32>
      tpu.vector_store %arg9[%swap3A_83, %swap3A_84], %swap3A_87 {strides = array<i32>} : memref<64x128xf32, #tpu.memory_space<vmem>>, vector<1x16xf32>,
      %swap3A_88 = arith.index_cast %scan3A_78 : i32 to index
      %swap3A_89 = arith.constant 32 : index
      %swap3A_90 = tpu.vector_load %arg9[%swap3A_88, %swap3A_89] {strides = array<i32>} : memref<64x128xf32, #tpu.memory_space<vmem>>, vector<1x16xf32>,
      %swap3A_91 = vector.shape_cast %swap3A_90 : vector<1x16xf32> to vector<16xf32>
      %swap3A_92 = vector.shape_cast %broadcast_in_dim3A_1 : vector<16xf32> to vector<1x16xf32>
      tpu.vector_store %arg9[%swap3A_88, %swap3A_89], %swap3A_92 {strides = array<i32>} : memref<64x128xf32, #tpu.memory_space<vmem>>, vector<1x16xf32>,
      %swap3A_93 = arith.index_cast %scan3A_78 : i32 to index
      %swap3A_94 = arith.constant 48 : index
      %swap3A_95 = tpu.vector_load %arg9[%swap3A_93, %swap3A_94] {strides = array<i32>} : memref<64x128xf32, #tpu.memory_space<vmem>>, vector<1x16xf32>,
      %swap3A_96 = vector.shape_cast %swap3A_95 : vector<1x16xf32> to vector<16xf32>
      %swap3A_97 = vector.shape_cast %broadcast_in_dim3A_1 : vector<16xf32> to vector<1x16xf32>
      tpu.vector_store %arg9[%swap3A_93, %swap3A_94], %swap3A_97 {strides = array<i32>} : memref<64x128xf32, #tpu.memory_space<vmem>>, vector<1x16xf32>,
      %swap3A_98 = arith.index_cast %scan3A_78 : i32 to index
      %swap3A_99 = arith.constant 64 : index
      %swap3A_100 = tpu.vector_load %arg9[%swap3A_98, %swap3A_99] {strides = array<i32>} : memref<64x128xf32, #tpu.memory_space<vmem>>, vector<1x16xf32>,
      %swap3A_101 = vector.shape_cast %swap3A_100 : vector<1x16xf32> to vector<16xf32>
      %swap3A_102 = vector.shape_cast %broadcast_in_dim3A_1 : vector<16xf32> to vector<1x16xf32>
      tpu.vector_store %arg9[%swap3A_98, %swap3A_99], %swap3A_102 {strides = array<i32>} : memref<64x128xf32, #tpu.memory_space<vmem>>, vector<1x16xf32>,
      %swap3A_103 = arith.index_cast %scan3A_78 : i32 to index
      %swap3A_104 = arith.constant 80 : index
      %swap3A_105 = tpu.vector_load %arg9[%swap3A_103, %swap3A_104] {strides = array<i32>} : memref<64x128xf32, #tpu.memory_space<vmem>>, vector<1x16xf32>,
      %swap3A_106 = vector.shape_cast %swap3A_105 : vector<1x16xf32> to vector<16xf32>
      %swap3A_107 = vector.shape_cast %broadcast_in_dim3A_1 : vector<16xf32> to vector<1x16xf32>
      tpu.vector_store %arg9[%swap3A_103, %swap3A_104], %swap3A_107 {strides = array<i32>} : memref<64x128xf32, #tpu.memory_space<vmem>>, vector<1x16xf32>,
      %swap3A_108 = arith.index_cast %scan3A_78 : i32 to index
      %swap3A_109 = arith.constant 96 : index
      %swap3A_110 = tpu.vector_load %arg9[%swap3A_108, %swap3A_109] {strides = array<i32>} : memref<64x128xf32, #tpu.memory_space<vmem>>, vector<1x16xf32>,
      %swap3A_111 = vector.shape_cast %swap3A_110 : vector<1x16xf32> to vector<16xf32>
      %swap3A_112 = vector.shape_cast %broadcast_in_dim3A_1 : vector<16xf32> to vector<1x16xf32>
      tpu.vector_store %arg9[%swap3A_108, %swap3A_109], %swap3A_112 {strides = array<i32>} : memref<64x128xf32, #tpu.memory_space<vmem>>, vector<1x16xf32>,
      %swap3A_113 = arith.index_cast %scan3A_78 : i32 to index
      %swap3A_114 = arith.constant 112 : index
      %swap3A_115 = tpu.vector_load %arg9[%swap3A_113, %swap3A_114] {strides = array<i32>} : memref<64x128xf32, #tpu.memory_space<vmem>>, vector<1x16xf32>,
      %swap3A_116 = vector.shape_cast %swap3A_115 : vector<1x16xf32> to vector<16xf32>
      %swap3A_117 = vector.shape_cast %broadcast_in_dim3A_1 : vector<16xf32> to vector<1x16xf32>
      tpu.vector_store %arg9[%swap3A_113, %swap3A_114], %swap3A_117 {strides = array<i32>} : memref<64x128xf32, #tpu.memory_space<vmem>>, vector<1x16xf32>,
    }
    %scan3A_6 = arith.constant 64 : i32
    %mul3A_7 = arith.constant 10 : i32
    %mul3A_8 = arith.muli %arg1, %mul3A_7 : i32
    %mul3A_9 = arith.constant 64 : i32
    %mul3A_10 = arith.muli %mul3A_8, %mul3A_9 : i32
    %add3A_11 = arith.constant 0 : i32
    %add3A_12 = arith.addi %mul3A_10, %add3A_11 : i32
    "tpu.region"() ({
      %run_scoped3A = tpu.sem_alloc : memref<!tpu.dma_semaphore, #tpu.memory_space<semaphore_mem>>
      %dma_start3A = arith.constant 0 : i32
      %dma_start3A_78 = tpu.memref_slice %arg8[%add3A_12, %dma_start3A] : memref<10240x128xf32, #tpu.memory_space<vmem_shared>> -> memref<64x128xf32, #tpu.memory_space<vmem_shared>>
      %dma_start3A_79 = arith.constant 0 : i32
      %dma_start3A_80 = tpu.memref_slice %arg8[%add3A_12, %dma_start3A_79] : memref<10240x128xf32, #tpu.memory_space<vmem_shared>> -> memref<64x128xf32, #tpu.memory_space<vmem_shared>>
      tpu.enqueue_dma source(%arg9 : memref<64x128xf32, #tpu.memory_space<vmem>>) target(%dma_start3A_80 : memref<64x128xf32, #tpu.memory_space<vmem_shared>>) target_semaphore(%run_scoped3A : memref<!tpu.dma_semaphore, #tpu.memory_space<semaphore_mem>>)
      %dma_wait3A = arith.constant 0 : i32
      %dma_wait3A_81 = tpu.memref_slice %arg8[%add3A_12, %dma_wait3A] : memref<10240x128xf32, #tpu.memory_space<vmem_shared>> -> memref<64x128xf32, #tpu.memory_space<vmem_shared>>
      %dma_wait3A_82 = arith.constant 0 : i32
      %dma_wait3A_83 = tpu.memref_slice %arg8[%add3A_12, %dma_wait3A_82] : memref<10240x128xf32, #tpu.memory_space<vmem_shared>> -> memref<64x128xf32, #tpu.memory_space<vmem_shared>>
      tpu.wait_dma2 semaphore(%run_scoped3A : memref<!tpu.dma_semaphore, #tpu.memory_space<semaphore_mem>>) src(%arg9 : memref<64x128xf32, #tpu.memory_space<vmem>>) dst(%dma_wait3A_83 : memref<64x128xf32, #tpu.memory_space<vmem_shared>>)
      tpu.yield
    }) : () -> ()
    %mul3A_13 = arith.constant 10 : i32
    %mul3A_14 = arith.muli %arg1, %mul3A_13 : i32
    %mul3A_15 = arith.constant 64 : i32
    %mul3A_16 = arith.muli %mul3A_14, %mul3A_15 : i32
    %add3A_17 = arith.constant 64 : i32
    %add3A_18 = arith.addi %mul3A_16, %add3A_17 : i32
    "tpu.region"() ({
      %run_scoped3A = tpu.sem_alloc : memref<!tpu.dma_semaphore, #tpu.memory_space<semaphore_mem>>
      %dma_start3A = arith.constant 0 : i32
      %dma_start3A_78 = tpu.memref_slice %arg8[%add3A_18, %dma_start3A] : memref<10240x128xf32, #tpu.memory_space<vmem_shared>> -> memref<64x128xf32, #tpu.memory_space<vmem_shared>>
      %dma_start3A_79 = arith.constant 0 : i32
      %dma_start3A_80 = tpu.memref_slice %arg8[%add3A_18, %dma_start3A_79] : memref<10240x128xf32, #tpu.memory_space<vmem_shared>> -> memref<64x128xf32, #tpu.memory_space<vmem_shared>>
      tpu.enqueue_dma source(%arg9 : memref<64x128xf32, #tpu.memory_space<vmem>>) target(%dma_start3A_80 : memref<64x128xf32, #tpu.memory_space<vmem_shared>>) target_semaphore(%run_scoped3A : memref<!tpu.dma_semaphore, #tpu.memory_space<semaphore_mem>>)
      %dma_wait3A = arith.constant 0 : i32
      %dma_wait3A_81 = tpu.memref_slice %arg8[%add3A_18, %dma_wait3A] : memref<10240x128xf32, #tpu.memory_space<vmem_shared>> -> memref<64x128xf32, #tpu.memory_space<vmem_shared>>
      %dma_wait3A_82 = arith.constant 0 : i32
      %dma_wait3A_83 = tpu.memref_slice %arg8[%add3A_18, %dma_wait3A_82] : memref<10240x128xf32, #tpu.memory_space<vmem_shared>> -> memref<64x128xf32, #tpu.memory_space<vmem_shared>>
      tpu.wait_dma2 semaphore(%run_scoped3A : memref<!tpu.dma_semaphore, #tpu.memory_space<semaphore_mem>>) src(%arg9 : memref<64x128xf32, #tpu.memory_space<vmem>>) dst(%dma_wait3A_83 : memref<64x128xf32, #tpu.memory_space<vmem_shared>>)
      tpu.yield
    }) : () -> ()
    %mul3A_19 = arith.constant 10 : i32
    %mul3A_20 = arith.muli %arg1, %mul3A_19 : i32
    %mul3A_21 = arith.constant 64 : i32
    %mul3A_22 = arith.muli %mul3A_20, %mul3A_21 : i32
    %add3A_23 = arith.constant 128 : i32
    %add3A_24 = arith.addi %mul3A_22, %add3A_23 : i32
    "tpu.region"() ({
      %run_scoped3A = tpu.sem_alloc : memref<!tpu.dma_semaphore, #tpu.memory_space<semaphore_mem>>
      %dma_start3A = arith.constant 0 : i32
      %dma_start3A_78 = tpu.memref_slice %arg8[%add3A_24, %dma_start3A] : memref<10240x128xf32, #tpu.memory_space<vmem_shared>> -> memref<64x128xf32, #tpu.memory_space<vmem_shared>>
      %dma_start3A_79 = arith.constant 0 : i32
      %dma_start3A_80 = tpu.memref_slice %arg8[%add3A_24, %dma_start3A_79] : memref<10240x128xf32, #tpu.memory_space<vmem_shared>> -> memref<64x128xf32, #tpu.memory_space<vmem_shared>>
      tpu.enqueue_dma source(%arg9 : memref<64x128xf32, #tpu.memory_space<vmem>>) target(%dma_start3A_80 : memref<64x128xf32, #tpu.memory_space<vmem_shared>>) target_semaphore(%run_scoped3A : memref<!tpu.dma_semaphore, #tpu.memory_space<semaphore_mem>>)
      %dma_wait3A = arith.constant 0 : i32
      %dma_wait3A_81 = tpu.memref_slice %arg8[%add3A_24, %dma_wait3A] : memref<10240x128xf32, #tpu.memory_space<vmem_shared>> -> memref<64x128xf32, #tpu.memory_space<vmem_shared>>
      %dma_wait3A_82 = arith.constant 0 : i32
      %dma_wait3A_83 = tpu.memref_slice %arg8[%add3A_24, %dma_wait3A_82] : memref<10240x128xf32, #tpu.memory_space<vmem_shared>> -> memref<64x128xf32, #tpu.memory_space<vmem_shared>>
      tpu.wait_dma2 semaphore(%run_scoped3A : memref<!tpu.dma_semaphore, #tpu.memory_space<semaphore_mem>>) src(%arg9 : memref<64x128xf32, #tpu.memory_space<vmem>>) dst(%dma_wait3A_83 : memref<64x128xf32, #tpu.memory_space<vmem_shared>>)
      tpu.yield
    }) : () -> ()
    %mul3A_25 = arith.constant 10 : i32
    %mul3A_26 = arith.muli %arg1, %mul3A_25 : i32
    %mul3A_27 = arith.constant 64 : i32
    %mul3A_28 = arith.muli %mul3A_26, %mul3A_27 : i32
    %add3A_29 = arith.constant 192 : i32
    %add3A_30 = arith.addi %mul3A_28, %add3A_29 : i32
    "tpu.region"() ({
      %run_scoped3A = tpu.sem_alloc : memref<!tpu.dma_semaphore, #tpu.memory_space<semaphore_mem>>
      %dma_start3A = arith.constant 0 : i32
      %dma_start3A_78 = tpu.memref_slice %arg8[%add3A_30, %dma_start3A] : memref<10240x128xf32, #tpu.memory_space<vmem_shared>> -> memref<64x128xf32, #tpu.memory_space<vmem_shared>>
      %dma_start3A_79 = arith.constant 0 : i32
      %dma_start3A_80 = tpu.memref_slice %arg8[%add3A_30, %dma_start3A_79] : memref<10240x128xf32, #tpu.memory_space<vmem_shared>> -> memref<64x128xf32, #tpu.memory_space<vmem_shared>>
      tpu.enqueue_dma source(%arg9 : memref<64x128xf32, #tpu.memory_space<vmem>>) target(%dma_start3A_80 : memref<64x128xf32, #tpu.memory_space<vmem_shared>>) target_semaphore(%run_scoped3A : memref<!tpu.dma_semaphore, #tpu.memory_space<semaphore_mem>>)
      %dma_wait3A = arith.constant 0 : i32
      %dma_wait3A_81 = tpu.memref_slice %arg8[%add3A_30, %dma_wait3A] : memref<10240x128xf32, #tpu.memory_space<vmem_shared>> -> memref<64x128xf32, #tpu.memory_space<vmem_shared>>
      %dma_wait3A_82 = arith.constant 0 : i32
      %dma_wait3A_83 = tpu.memref_slice %arg8[%add3A_30, %dma_wait3A_82] : memref<10240x128xf32, #tpu.memory_space<vmem_shared>> -> memref<64x128xf32, #tpu.memory_space<vmem_shared>>
      tpu.wait_dma2 semaphore(%run_scoped3A : memref<!tpu.dma_semaphore, #tpu.memory_space<semaphore_mem>>) src(%arg9 : memref<64x128xf32, #tpu.memory_space<vmem>>) dst(%dma_wait3A_83 : memref<64x128xf32, #tpu.memory_space<vmem_shared>>)
      tpu.yield
    }) : () -> ()
    %mul3A_31 = arith.constant 10 : i32
    %mul3A_32 = arith.muli %arg1, %mul3A_31 : i32
    %mul3A_33 = arith.constant 64 : i32
    %mul3A_34 = arith.muli %mul3A_32, %mul3A_33 : i32
    %add3A_35 = arith.constant 256 : i32
    %add3A_36 = arith.addi %mul3A_34, %add3A_35 : i32
    "tpu.region"() ({
      %run_scoped3A = tpu.sem_alloc : memref<!tpu.dma_semaphore, #tpu.memory_space<semaphore_mem>>
      %dma_start3A = arith.constant 0 : i32
      %dma_start3A_78 = tpu.memref_slice %arg8[%add3A_36, %dma_start3A] : memref<10240x128xf32, #tpu.memory_space<vmem_shared>> -> memref<64x128xf32, #tpu.memory_space<vmem_shared>>
      %dma_start3A_79 = arith.constant 0 : i32
      %dma_start3A_80 = tpu.memref_slice %arg8[%add3A_36, %dma_start3A_79] : memref<10240x128xf32, #tpu.memory_space<vmem_shared>> -> memref<64x128xf32, #tpu.memory_space<vmem_shared>>
      tpu.enqueue_dma source(%arg9 : memref<64x128xf32, #tpu.memory_space<vmem>>) target(%dma_start3A_80 : memref<64x128xf32, #tpu.memory_space<vmem_shared>>) target_semaphore(%run_scoped3A : memref<!tpu.dma_semaphore, #tpu.memory_space<semaphore_mem>>)
      %dma_wait3A = arith.constant 0 : i32
      %dma_wait3A_81 = tpu.memref_slice %arg8[%add3A_36, %dma_wait3A] : memref<10240x128xf32, #tpu.memory_space<vmem_shared>> -> memref<64x128xf32, #tpu.memory_space<vmem_shared>>
      %dma_wait3A_82 = arith.constant 0 : i32
      %dma_wait3A_83 = tpu.memref_slice %arg8[%add3A_36, %dma_wait3A_82] : memref<10240x128xf32, #tpu.memory_space<vmem_shared>> -> memref<64x128xf32, #tpu.memory_space<vmem_shared>>
      tpu.wait_dma2 semaphore(%run_scoped3A : memref<!tpu.dma_semaphore, #tpu.memory_space<semaphore_mem>>) src(%arg9 : memref<64x128xf32, #tpu.memory_space<vmem>>) dst(%dma_wait3A_83 : memref<64x128xf32, #tpu.memory_space<vmem_shared>>)
      tpu.yield
    }) : () -> ()
    %mul3A_37 = arith.constant 10 : i32
    %mul3A_38 = arith.muli %arg1, %mul3A_37 : i32
    %mul3A_39 = arith.constant 64 : i32
    %mul3A_40 = arith.muli %mul3A_38, %mul3A_39 : i32
    %add3A_41 = arith.constant 320 : i32
    %add3A_42 = arith.addi %mul3A_40, %add3A_41 : i32
    "tpu.region"() ({
      %run_scoped3A = tpu.sem_alloc : memref<!tpu.dma_semaphore, #tpu.memory_space<semaphore_mem>>
      %dma_start3A = arith.constant 0 : i32
      %dma_start3A_78 = tpu.memref_slice %arg8[%add3A_42, %dma_start3A] : memref<10240x128xf32, #tpu.memory_space<vmem_shared>> -> memref<64x128xf32, #tpu.memory_space<vmem_shared>>
      %dma_start3A_79 = arith.constant 0 : i32
      %dma_start3A_80 = tpu.memref_slice %arg8[%add3A_42, %dma_start3A_79] : memref<10240x128xf32, #tpu.memory_space<vmem_shared>> -> memref<64x128xf32, #tpu.memory_space<vmem_shared>>
      tpu.enqueue_dma source(%arg9 : memref<64x128xf32, #tpu.memory_space<vmem>>) target(%dma_start3A_80 : memref<64x128xf32, #tpu.memory_space<vmem_shared>>) target_semaphore(%run_scoped3A : memref<!tpu.dma_semaphore, #tpu.memory_space<semaphore_mem>>)
      %dma_wait3A = arith.constant 0 : i32
      %dma_wait3A_81 = tpu.memref_slice %arg8[%add3A_42, %dma_wait3A] : memref<10240x128xf32, #tpu.memory_space<vmem_shared>> -> memref<64x128xf32, #tpu.memory_space<vmem_shared>>
      %dma_wait3A_82 = arith.constant 0 : i32
      %dma_wait3A_83 = tpu.memref_slice %arg8[%add3A_42, %dma_wait3A_82] : memref<10240x128xf32, #tpu.memory_space<vmem_shared>> -> memref<64x128xf32, #tpu.memory_space<vmem_shared>>
      tpu.wait_dma2 semaphore(%run_scoped3A : memref<!tpu.dma_semaphore, #tpu.memory_space<semaphore_mem>>) src(%arg9 : memref<64x128xf32, #tpu.memory_space<vmem>>) dst(%dma_wait3A_83 : memref<64x128xf32, #tpu.memory_space<vmem_shared>>)
      tpu.yield
    }) : () -> ()
    %mul3A_43 = arith.constant 10 : i32
    %mul3A_44 = arith.muli %arg1, %mul3A_43 : i32
    %mul3A_45 = arith.constant 64 : i32
    %mul3A_46 = arith.muli %mul3A_44, %mul3A_45 : i32
    %add3A_47 = arith.constant 384 : i32
    %add3A_48 = arith.addi %mul3A_46, %add3A_47 : i32
    "tpu.region"() ({
      %run_scoped3A = tpu.sem_alloc : memref<!tpu.dma_semaphore, #tpu.memory_space<semaphore_mem>>
      %dma_start3A = arith.constant 0 : i32
      %dma_start3A_78 = tpu.memref_slice %arg8[%add3A_48, %dma_start3A] : memref<10240x128xf32, #tpu.memory_space<vmem_shared>> -> memref<64x128xf32, #tpu.memory_space<vmem_shared>>
      %dma_start3A_79 = arith.constant 0 : i32
      %dma_start3A_80 = tpu.memref_slice %arg8[%add3A_48, %dma_start3A_79] : memref<10240x128xf32, #tpu.memory_space<vmem_shared>> -> memref<64x128xf32, #tpu.memory_space<vmem_shared>>
      tpu.enqueue_dma source(%arg9 : memref<64x128xf32, #tpu.memory_space<vmem>>) target(%dma_start3A_80 : memref<64x128xf32, #tpu.memory_space<vmem_shared>>) target_semaphore(%run_scoped3A : memref<!tpu.dma_semaphore, #tpu.memory_space<semaphore_mem>>)
      %dma_wait3A = arith.constant 0 : i32
      %dma_wait3A_81 = tpu.memref_slice %arg8[%add3A_48, %dma_wait3A] : memref<10240x128xf32, #tpu.memory_space<vmem_shared>> -> memref<64x128xf32, #tpu.memory_space<vmem_shared>>
      %dma_wait3A_82 = arith.constant 0 : i32
      %dma_wait3A_83 = tpu.memref_slice %arg8[%add3A_48, %dma_wait3A_82] : memref<10240x128xf32, #tpu.memory_space<vmem_shared>> -> memref<64x128xf32, #tpu.memory_space<vmem_shared>>
      tpu.wait_dma2 semaphore(%run_scoped3A : memref<!tpu.dma_semaphore, #tpu.memory_space<semaphore_mem>>) src(%arg9 : memref<64x128xf32, #tpu.memory_space<vmem>>) dst(%dma_wait3A_83 : memref<64x128xf32, #tpu.memory_space<vmem_shared>>)
      tpu.yield
    }) : () -> ()
    %mul3A_49 = arith.constant 10 : i32
    %mul3A_50 = arith.muli %arg1, %mul3A_49 : i32
    %mul3A_51 = arith.constant 64 : i32
    %mul3A_52 = arith.muli %mul3A_50, %mul3A_51 : i32
    %add3A_53 = arith.constant 448 : i32
    %add3A_54 = arith.addi %mul3A_52, %add3A_53 : i32
    "tpu.region"() ({
      %run_scoped3A = tpu.sem_alloc : memref<!tpu.dma_semaphore, #tpu.memory_space<semaphore_mem>>
      %dma_start3A = arith.constant 0 : i32
      %dma_start3A_78 = tpu.memref_slice %arg8[%add3A_54, %dma_start3A] : memref<10240x128xf32, #tpu.memory_space<vmem_shared>> -> memref<64x128xf32, #tpu.memory_space<vmem_shared>>
      %dma_start3A_79 = arith.constant 0 : i32
      %dma_start3A_80 = tpu.memref_slice %arg8[%add3A_54, %dma_start3A_79] : memref<10240x128xf32, #tpu.memory_space<vmem_shared>> -> memref<64x128xf32, #tpu.memory_space<vmem_shared>>
      tpu.enqueue_dma source(%arg9 : memref<64x128xf32, #tpu.memory_space<vmem>>) target(%dma_start3A_80 : memref<64x128xf32, #tpu.memory_space<vmem_shared>>) target_semaphore(%run_scoped3A : memref<!tpu.dma_semaphore, #tpu.memory_space<semaphore_mem>>)
      %dma_wait3A = arith.constant 0 : i32
      %dma_wait3A_81 = tpu.memref_slice %arg8[%add3A_54, %dma_wait3A] : memref<10240x128xf32, #tpu.memory_space<vmem_shared>> -> memref<64x128xf32, #tpu.memory_space<vmem_shared>>
      %dma_wait3A_82 = arith.constant 0 : i32
      %dma_wait3A_83 = tpu.memref_slice %arg8[%add3A_54, %dma_wait3A_82] : memref<10240x128xf32, #tpu.memory_space<vmem_shared>> -> memref<64x128xf32, #tpu.memory_space<vmem_shared>>
      tpu.wait_dma2 semaphore(%run_scoped3A : memref<!tpu.dma_semaphore, #tpu.memory_space<semaphore_mem>>) src(%arg9 : memref<64x128xf32, #tpu.memory_space<vmem>>) dst(%dma_wait3A_83 : memref<64x128xf32, #tpu.memory_space<vmem_shared>>)
      tpu.yield
    }) : () -> ()
    %mul3A_55 = arith.constant 10 : i32
    %mul3A_56 = arith.muli %arg1, %mul3A_55 : i32
    %mul3A_57 = arith.constant 64 : i32
    %mul3A_58 = arith.muli %mul3A_56, %mul3A_57 : i32
    %add3A_59 = arith.constant 512 : i32
    %add3A_60 = arith.addi %mul3A_58, %add3A_59 : i32
    "tpu.region"() ({
      %run_scoped3A = tpu.sem_alloc : memref<!tpu.dma_semaphore, #tpu.memory_space<semaphore_mem>>
      %dma_start3A = arith.constant 0 : i32
      %dma_start3A_78 = tpu.memref_slice %arg8[%add3A_60, %dma_start3A] : memref<10240x128xf32, #tpu.memory_space<vmem_shared>> -> memref<64x128xf32, #tpu.memory_space<vmem_shared>>
      %dma_start3A_79 = arith.constant 0 : i32
      %dma_start3A_80 = tpu.memref_slice %arg8[%add3A_60, %dma_start3A_79] : memref<10240x128xf32, #tpu.memory_space<vmem_shared>> -> memref<64x128xf32, #tpu.memory_space<vmem_shared>>
      tpu.enqueue_dma source(%arg9 : memref<64x128xf32, #tpu.memory_space<vmem>>) target(%dma_start3A_80 : memref<64x128xf32, #tpu.memory_space<vmem_shared>>) target_semaphore(%run_scoped3A : memref<!tpu.dma_semaphore, #tpu.memory_space<semaphore_mem>>)
      %dma_wait3A = arith.constant 0 : i32
      %dma_wait3A_81 = tpu.memref_slice %arg8[%add3A_60, %dma_wait3A] : memref<10240x128xf32, #tpu.memory_space<vmem_shared>> -> memref<64x128xf32, #tpu.memory_space<vmem_shared>>
      %dma_wait3A_82 = arith.constant 0 : i32
      %dma_wait3A_83 = tpu.memref_slice %arg8[%add3A_60, %dma_wait3A_82] : memref<10240x128xf32, #tpu.memory_space<vmem_shared>> -> memref<64x128xf32, #tpu.memory_space<vmem_shared>>
      tpu.wait_dma2 semaphore(%run_scoped3A : memref<!tpu.dma_semaphore, #tpu.memory_space<semaphore_mem>>) src(%arg9 : memref<64x128xf32, #tpu.memory_space<vmem>>) dst(%dma_wait3A_83 : memref<64x128xf32, #tpu.memory_space<vmem_shared>>)
      tpu.yield
    }) : () -> ()
    %mul3A_61 = arith.constant 10 : i32
    %mul3A_62 = arith.muli %arg1, %mul3A_61 : i32
    %mul3A_63 = arith.constant 64 : i32
    %mul3A_64 = arith.muli %mul3A_62, %mul3A_63 : i32
    %add3A_65 = arith.constant 576 : i32
    %add3A_66 = arith.addi %mul3A_64, %add3A_65 : i32
    "tpu.region"() ({
      %run_scoped3A = tpu.sem_alloc : memref<!tpu.dma_semaphore, #tpu.memory_space<semaphore_mem>>
      %dma_start3A = arith.constant 0 : i32
      %dma_start3A_78 = tpu.memref_slice %arg8[%add3A_66, %dma_start3A] : memref<10240x128xf32, #tpu.memory_space<vmem_shared>> -> memref<64x128xf32, #tpu.memory_space<vmem_shared>>
      %dma_start3A_79 = arith.constant 0 : i32
      %dma_start3A_80 = tpu.memref_slice %arg8[%add3A_66, %dma_start3A_79] : memref<10240x128xf32, #tpu.memory_space<vmem_shared>> -> memref<64x128xf32, #tpu.memory_space<vmem_shared>>
      tpu.enqueue_dma source(%arg9 : memref<64x128xf32, #tpu.memory_space<vmem>>) target(%dma_start3A_80 : memref<64x128xf32, #tpu.memory_space<vmem_shared>>) target_semaphore(%run_scoped3A : memref<!tpu.dma_semaphore, #tpu.memory_space<semaphore_mem>>)
      %dma_wait3A = arith.constant 0 : i32
      %dma_wait3A_81 = tpu.memref_slice %arg8[%add3A_66, %dma_wait3A] : memref<10240x128xf32, #tpu.memory_space<vmem_shared>> -> memref<64x128xf32, #tpu.memory_space<vmem_shared>>
      %dma_wait3A_82 = arith.constant 0 : i32
      %dma_wait3A_83 = tpu.memref_slice %arg8[%add3A_66, %dma_wait3A_82] : memref<10240x128xf32, #tpu.memory_space<vmem_shared>> -> memref<64x128xf32, #tpu.memory_space<vmem_shared>>
      tpu.wait_dma2 semaphore(%run_scoped3A : memref<!tpu.dma_semaphore, #tpu.memory_space<semaphore_mem>>) src(%arg9 : memref<64x128xf32, #tpu.memory_space<vmem>>) dst(%dma_wait3A_83 : memref<64x128xf32, #tpu.memory_space<vmem_shared>>)
      tpu.yield
    }) : () -> ()
    %barrier3A = arith.constant 0 : index
    tpu.barrier barrier_id(%barrier3A)
    %scan3A_67 = arith.constant 0 : i32
    %scan3A_68 = arith.constant 0 : i32
    %scan3A_69 = arith.constant 5 : i32
    %scan3A_70 = arith.addi %scan3A_68, %scan3A_69 : i32
    %scan3A_71 = arith.constant 1 : i32
    scf.for %scan3A_78 = %scan3A_68 to %scan3A_70 step %scan3A_71  : i32 {
      %mul3A_79 = arith.constant 32 : i32
      %mul3A_80 = arith.muli %scan3A_78, %mul3A_79 : i32
      "tpu.region"() ({
        %run_scoped3A = tpu.sem_alloc : memref<!tpu.dma_semaphore, #tpu.memory_space<semaphore_mem>>
        %dma_start3A_116 = arith.constant 0 : i32
        %dma_start3A_117 = tpu.memref_slice %arg3[%add3A, %mul3A_80, %dma_start3A_116] : memref<32x160x64xi32, #tpu.memory_space<hbm>> -> memref<1x32x64xi32, #tpu.memory_space<hbm>>
        %dma_start3A_118 = tpu.memref_squeeze %dma_start3A_117 : memref<1x32x64xi32, #tpu.memory_space<hbm>> -> memref<32x64xi32, #tpu.memory_space<hbm>>
        %dma_start3A_119 = arith.constant 0 : i32
        %dma_start3A_120 = tpu.memref_slice %arg3[%add3A, %mul3A_80, %dma_start3A_119] : memref<32x160x64xi32, #tpu.memory_space<hbm>> -> memref<1x32x64xi32, #tpu.memory_space<hbm>>
        %dma_start3A_121 = tpu.memref_squeeze %dma_start3A_120 : memref<1x32x64xi32, #tpu.memory_space<hbm>> -> memref<32x64xi32, #tpu.memory_space<hbm>>
        tpu.enqueue_dma source(%dma_start3A_121 : memref<32x64xi32, #tpu.memory_space<hbm>>) target(%arg6 : memref<32x64xi32, #tpu.memory_space<vmem>>) target_semaphore(%run_scoped3A : memref<!tpu.dma_semaphore, #tpu.memory_space<semaphore_mem>>)
        %dma_wait3A = arith.constant 0 : i32
        %dma_wait3A_122 = tpu.memref_slice %arg3[%add3A, %mul3A_80, %dma_wait3A] : memref<32x160x64xi32, #tpu.memory_space<hbm>> -> memref<1x32x64xi32, #tpu.memory_space<hbm>>
        %dma_wait3A_123 = tpu.memref_squeeze %dma_wait3A_122 : memref<1x32x64xi32, #tpu.memory_space<hbm>> -> memref<32x64xi32, #tpu.memory_space<hbm>>
        %dma_wait3A_124 = arith.constant 0 : i32
        %dma_wait3A_125 = tpu.memref_slice %arg3[%add3A, %mul3A_80, %dma_wait3A_124] : memref<32x160x64xi32, #tpu.memory_space<hbm>> -> memref<1x32x64xi32, #tpu.memory_space<hbm>>
        %dma_wait3A_126 = tpu.memref_squeeze %dma_wait3A_125 : memref<1x32x64xi32, #tpu.memory_space<hbm>> -> memref<32x64xi32, #tpu.memory_space<hbm>>
        tpu.wait_dma2 semaphore(%run_scoped3A : memref<!tpu.dma_semaphore, #tpu.memory_space<semaphore_mem>>) src(%dma_wait3A_126 : memref<32x64xi32, #tpu.memory_space<hbm>>) dst(%arg6 : memref<32x64xi32, #tpu.memory_space<vmem>>)
        tpu.yield
      }) : () -> ()
      %mul3A_81 = arith.constant 32 : i32
      %mul3A_82 = arith.muli %scan3A_78, %mul3A_81 : i32
      "tpu.region"() ({
        %run_scoped3A = tpu.sem_alloc : memref<!tpu.dma_semaphore, #tpu.memory_space<semaphore_mem>>
        %dma_start3A_116 = arith.constant 0 : i32
        %dma_start3A_117 = tpu.memref_slice %arg4[%add3A, %mul3A_82, %dma_start3A_116] : memref<32x160x64xi32, #tpu.memory_space<hbm>> -> memref<1x32x64xi32, #tpu.memory_space<hbm>>
        %dma_start3A_118 = tpu.memref_squeeze %dma_start3A_117 : memref<1x32x64xi32, #tpu.memory_space<hbm>> -> memref<32x64xi32, #tpu.memory_space<hbm>>
        %dma_start3A_119 = arith.constant 0 : i32
        %dma_start3A_120 = tpu.memref_slice %arg4[%add3A, %mul3A_82, %dma_start3A_119] : memref<32x160x64xi32, #tpu.memory_space<hbm>> -> memref<1x32x64xi32, #tpu.memory_space<hbm>>
        %dma_start3A_121 = tpu.memref_squeeze %dma_start3A_120 : memref<1x32x64xi32, #tpu.memory_space<hbm>> -> memref<32x64xi32, #tpu.memory_space<hbm>>
        tpu.enqueue_dma source(%dma_start3A_121 : memref<32x64xi32, #tpu.memory_space<hbm>>) target(%arg7 : memref<32x64xi32, #tpu.memory_space<vmem>>) target_semaphore(%run_scoped3A : memref<!tpu.dma_semaphore, #tpu.memory_space<semaphore_mem>>)
        %dma_wait3A = arith.constant 0 : i32
        %dma_wait3A_122 = tpu.memref_slice %arg4[%add3A, %mul3A_82, %dma_wait3A] : memref<32x160x64xi32, #tpu.memory_space<hbm>> -> memref<1x32x64xi32, #tpu.memory_space<hbm>>
        %dma_wait3A_123 = tpu.memref_squeeze %dma_wait3A_122 : memref<1x32x64xi32, #tpu.memory_space<hbm>> -> memref<32x64xi32, #tpu.memory_space<hbm>>
        %dma_wait3A_124 = arith.constant 0 : i32
        %dma_wait3A_125 = tpu.memref_slice %arg4[%add3A, %mul3A_82, %dma_wait3A_124] : memref<32x160x64xi32, #tpu.memory_space<hbm>> -> memref<1x32x64xi32, #tpu.memory_space<hbm>>
        %dma_wait3A_126 = tpu.memref_squeeze %dma_wait3A_125 : memref<1x32x64xi32, #tpu.memory_space<hbm>> -> memref<32x64xi32, #tpu.memory_space<hbm>>
        tpu.wait_dma2 semaphore(%run_scoped3A : memref<!tpu.dma_semaphore, #tpu.memory_space<semaphore_mem>>) src(%dma_wait3A_126 : memref<32x64xi32, #tpu.memory_space<hbm>>) dst(%arg7 : memref<32x64xi32, #tpu.memory_space<vmem>>)
        tpu.yield
      }) : () -> ()
      %dma_start3A = arith.constant 0 : i32
      %dma_start3A_83 = arith.constant 0 : i32
      %dma_start3A_84 = tpu.memref_slice %arg6[%dma_start3A, %dma_start3A_83] : memref<32x64xi32, #tpu.memory_space<vmem>> -> memref<1x64xi32, #tpu.memory_space<vmem>>
      %dma_start3A_85 = tpu.memref_squeeze %dma_start3A_84 : memref<1x64xi32, #tpu.memory_space<vmem>> -> memref<64xi32, #tpu.memory_space<vmem>>
      %dma_start3A_86 = arith.constant 0 : i32
      %dma_start3A_87 = arith.constant 0 : i32
      %dma_start3A_88 = tpu.memref_slice %arg2[%dma_start3A_86, %dma_start3A_87] : memref<10000x128xf32, #tpu.memory_space<hbm>> -> memref<10000x128xf32, #tpu.memory_space<hbm>>
      tpu.enqueue_indirect_dma source(%dma_start3A_88 : memref<10000x128xf32, #tpu.memory_space<hbm>>) target(%arg9 : memref<64x128xf32, #tpu.memory_space<vmem>>) offsets(%dma_start3A_85 : memref<64xi32, #tpu.memory_space<vmem>>) semaphore(%arg13 : memref<!tpu.dma_semaphore, #tpu.memory_space<semaphore_mem>>)
      %dma_start3A_89 = arith.constant 1 : i32
      %dma_start3A_90 = arith.constant 0 : i32
      %dma_start3A_91 = tpu.memref_slice %arg6[%dma_start3A_89, %dma_start3A_90] : memref<32x64xi32, #tpu.memory_space<vmem>> -> memref<1x64xi32, #tpu.memory_space<vmem>>
      %dma_start3A_92 = tpu.memref_squeeze %dma_start3A_91 : memref<1x64xi32, #tpu.memory_space<vmem>> -> memref<64xi32, #tpu.memory_space<vmem>>
      %dma_start3A_93 = arith.constant 0 : i32
      %dma_start3A_94 = arith.constant 0 : i32
      %dma_start3A_95 = tpu.memref_slice %arg2[%dma_start3A_93, %dma_start3A_94] : memref<10000x128xf32, #tpu.memory_space<hbm>> -> memref<10000x128xf32, #tpu.memory_space<hbm>>
      tpu.enqueue_indirect_dma source(%dma_start3A_95 : memref<10000x128xf32, #tpu.memory_space<hbm>>) target(%arg10 : memref<64x128xf32, #tpu.memory_space<vmem>>) offsets(%dma_start3A_92 : memref<64xi32, #tpu.memory_space<vmem>>) semaphore(%arg14 : memref<!tpu.dma_semaphore, #tpu.memory_space<semaphore_mem>>)
      %dma_start3A_96 = arith.constant 2 : i32
      %dma_start3A_97 = arith.constant 0 : i32
      %dma_start3A_98 = tpu.memref_slice %arg6[%dma_start3A_96, %dma_start3A_97] : memref<32x64xi32, #tpu.memory_space<vmem>> -> memref<1x64xi32, #tpu.memory_space<vmem>>
      %dma_start3A_99 = tpu.memref_squeeze %dma_start3A_98 : memref<1x64xi32, #tpu.memory_space<vmem>> -> memref<64xi32, #tpu.memory_space<vmem>>
      %dma_start3A_100 = arith.constant 0 : i32
      %dma_start3A_101 = arith.constant 0 : i32
      %dma_start3A_102 = tpu.memref_slice %arg2[%dma_start3A_100, %dma_start3A_101] : memref<10000x128xf32, #tpu.memory_space<hbm>> -> memref<10000x128xf32, #tpu.memory_space<hbm>>
      tpu.enqueue_indirect_dma source(%dma_start3A_102 : memref<10000x128xf32, #tpu.memory_space<hbm>>) target(%arg11 : memref<64x128xf32, #tpu.memory_space<vmem>>) offsets(%dma_start3A_99 : memref<64xi32, #tpu.memory_space<vmem>>) semaphore(%arg15 : memref<!tpu.dma_semaphore, #tpu.memory_space<semaphore_mem>>)
      %dma_start3A_103 = arith.constant 3 : i32
      %dma_start3A_104 = arith.constant 0 : i32
      %dma_start3A_105 = tpu.memref_slice %arg6[%dma_start3A_103, %dma_start3A_104] : memref<32x64xi32, #tpu.memory_space<vmem>> -> memref<1x64xi32, #tpu.memory_space<vmem>>
      %dma_start3A_106 = tpu.memref_squeeze %dma_start3A_105 : memref<1x64xi32, #tpu.memory_space<vmem>> -> memref<64xi32, #tpu.memory_space<vmem>>
      %dma_start3A_107 = arith.constant 0 : i32
      %dma_start3A_108 = arith.constant 0 : i32
      %dma_start3A_109 = tpu.memref_slice %arg2[%dma_start3A_107, %dma_start3A_108] : memref<10000x128xf32, #tpu.memory_space<hbm>> -> memref<10000x128xf32, #tpu.memory_space<hbm>>
      tpu.enqueue_indirect_dma source(%dma_start3A_109 : memref<10000x128xf32, #tpu.memory_space<hbm>>) target(%arg12 : memref<64x128xf32, #tpu.memory_space<vmem>>) offsets(%dma_start3A_106 : memref<64xi32, #tpu.memory_space<vmem>>) semaphore(%arg16 : memref<!tpu.dma_semaphore, #tpu.memory_space<semaphore_mem>>)
      %scan3A_110 = arith.constant 0 : i32
      %scan3A_111 = arith.constant 0 : i32
      %scan3A_112 = arith.constant 8 : i32
      %scan3A_113 = arith.addi %scan3A_111, %scan3A_112 : i32
      %scan3A_114 = arith.constant 1 : i32
      scf.for %scan3A_116 = %scan3A_111 to %scan3A_113 step %scan3A_114  : i32 {
        %mul3A_117 = arith.constant 4 : i32
        %mul3A_118 = arith.muli %scan3A_116, %mul3A_117 : i32
        %add3A_119 = arith.constant 0 : i32
        %add3A_120 = arith.addi %mul3A_118, %add3A_119 : i32
        %dma_wait3A = arith.constant 0 : i32
        %dma_wait3A_121 = tpu.memref_slice %arg6[%add3A_120, %dma_wait3A] : memref<32x64xi32, #tpu.memory_space<vmem>> -> memref<1x64xi32, #tpu.memory_space<vmem>>
        %dma_wait3A_122 = tpu.memref_squeeze %dma_wait3A_121 : memref<1x64xi32, #tpu.memory_space<vmem>> -> memref<64xi32, #tpu.memory_space<vmem>>
        %dma_wait3A_123 = arith.constant 0 : i32
        %dma_wait3A_124 = arith.constant 0 : i32
        %dma_wait3A_125 = tpu.memref_slice %arg2[%dma_wait3A_123, %dma_wait3A_124] : memref<10000x128xf32, #tpu.memory_space<hbm>> -> memref<10000x128xf32, #tpu.memory_space<hbm>>
        tpu.wait_indirect_dma semaphore(%arg13 : memref<!tpu.dma_semaphore, #tpu.memory_space<semaphore_mem>>) src(%dma_wait3A_125 : memref<10000x128xf32, #tpu.memory_space<hbm>>) dst(%arg9 : memref<64x128xf32, #tpu.memory_space<vmem>>)
        "tpu.region"() ({
          %run_scoped3A = tpu.sem_alloc : memref<!tpu.dma_semaphore, #tpu.memory_space<semaphore_mem>>
          %dma_start3A_175 = arith.constant 0 : i32
          %dma_start3A_176 = tpu.memref_slice %arg7[%add3A_120, %dma_start3A_175] : memref<32x64xi32, #tpu.memory_space<vmem>> -> memref<1x64xi32, #tpu.memory_space<vmem>>
          %dma_start3A_177 = tpu.memref_squeeze %dma_start3A_176 : memref<1x64xi32, #tpu.memory_space<vmem>> -> memref<64xi32, #tpu.memory_space<vmem>>
          %dma_start3A_178 = arith.constant 0 : i32
          %dma_start3A_179 = arith.constant 0 : i32
          %dma_start3A_180 = tpu.memref_slice %arg8[%dma_start3A_178, %dma_start3A_179] : memref<10240x128xf32, #tpu.memory_space<vmem_shared>> -> memref<10240x128xf32, #tpu.memory_space<vmem_shared>>
          tpu.enqueue_indirect_dma source(%arg9 : memref<64x128xf32, #tpu.memory_space<vmem>>) target(%dma_start3A_180 : memref<10240x128xf32, #tpu.memory_space<vmem_shared>>) offsets(%dma_start3A_177 : memref<64xi32, #tpu.memory_space<vmem>>) semaphore(%run_scoped3A : memref<!tpu.dma_semaphore, #tpu.memory_space<semaphore_mem>>) {add = true}
          %dma_wait3A_181 = arith.constant 0 : i32
          %dma_wait3A_182 = tpu.memref_slice %arg7[%add3A_120, %dma_wait3A_181] : memref<32x64xi32, #tpu.memory_space<vmem>> -> memref<1x64xi32, #tpu.memory_space<vmem>>
          %dma_wait3A_183 = tpu.memref_squeeze %dma_wait3A_182 : memref<1x64xi32, #tpu.memory_space<vmem>> -> memref<64xi32, #tpu.memory_space<vmem>>
          %dma_wait3A_184 = arith.constant 0 : i32
          %dma_wait3A_185 = arith.constant 0 : i32
          %dma_wait3A_186 = tpu.memref_slice %arg8[%dma_wait3A_184, %dma_wait3A_185] : memref<10240x128xf32, #tpu.memory_space<vmem_shared>> -> memref<10240x128xf32, #tpu.memory_space<vmem_shared>>
          tpu.wait_indirect_dma semaphore(%run_scoped3A : memref<!tpu.dma_semaphore, #tpu.memory_space<semaphore_mem>>) src(%arg9 : memref<64x128xf32, #tpu.memory_space<vmem>>) dst(%dma_wait3A_186 : memref<10240x128xf32, #tpu.memory_space<vmem_shared>>)
          tpu.yield
        }) : () -> ()
        %add3A_126 = arith.constant 4 : i32
        %add3A_127 = arith.addi %add3A_120, %add3A_126 : i32
        %lt3A = arith.constant 32 : i32
        %lt3A_128 = arith.cmpi slt, %add3A_127, %lt3A : i32
        %convert_element_type3A = arith.extui %lt3A_128 : i1 to i32
        %cond3A = arith.constant 0 : i32
        %cond3A_129 = arith.cmpi ne, %convert_element_type3A, %cond3A : i32
        scf.if %cond3A_129 {
          %add3A_175 = arith.constant 4 : i32
          %add3A_176 = arith.addi %add3A_120, %add3A_175 : i32
          %dma_start3A_177 = arith.constant 0 : i32
          %dma_start3A_178 = tpu.memref_slice %arg6[%add3A_176, %dma_start3A_177] : memref<32x64xi32, #tpu.memory_space<vmem>> -> memref<1x64xi32, #tpu.memory_space<vmem>>
          %dma_start3A_179 = tpu.memref_squeeze %dma_start3A_178 : memref<1x64xi32, #tpu.memory_space<vmem>> -> memref<64xi32, #tpu.memory_space<vmem>>
          %dma_start3A_180 = arith.constant 0 : i32
          %dma_start3A_181 = arith.constant 0 : i32
          %dma_start3A_182 = tpu.memref_slice %arg2[%dma_start3A_180, %dma_start3A_181] : memref<10000x128xf32, #tpu.memory_space<hbm>> -> memref<10000x128xf32, #tpu.memory_space<hbm>>
          tpu.enqueue_indirect_dma source(%dma_start3A_182 : memref<10000x128xf32, #tpu.memory_space<hbm>>) target(%arg9 : memref<64x128xf32, #tpu.memory_space<vmem>>) offsets(%dma_start3A_179 : memref<64xi32, #tpu.memory_space<vmem>>) semaphore(%arg13 : memref<!tpu.dma_semaphore, #tpu.memory_space<semaphore_mem>>)
        } else {
        }
        %add3A_130 = arith.constant 1 : i32
        %add3A_131 = arith.addi %mul3A_118, %add3A_130 : i32
        %dma_wait3A_132 = arith.constant 0 : i32
        %dma_wait3A_133 = tpu.memref_slice %arg6[%add3A_131, %dma_wait3A_132] : memref<32x64xi32, #tpu.memory_space<vmem>> -> memref<1x64xi32, #tpu.memory_space<vmem>>
        %dma_wait3A_134 = tpu.memref_squeeze %dma_wait3A_133 : memref<1x64xi32, #tpu.memory_space<vmem>> -> memref<64xi32, #tpu.memory_space<vmem>>
        %dma_wait3A_135 = arith.constant 0 : i32
        %dma_wait3A_136 = arith.constant 0 : i32
        %dma_wait3A_137 = tpu.memref_slice %arg2[%dma_wait3A_135, %dma_wait3A_136] : memref<10000x128xf32, #tpu.memory_space<hbm>> -> memref<10000x128xf32, #tpu.memory_space<hbm>>
        tpu.wait_indirect_dma semaphore(%arg14 : memref<!tpu.dma_semaphore, #tpu.memory_space<semaphore_mem>>) src(%dma_wait3A_137 : memref<10000x128xf32, #tpu.memory_space<hbm>>) dst(%arg10 : memref<64x128xf32, #tpu.memory_space<vmem>>)
        "tpu.region"() ({
          %run_scoped3A = tpu.sem_alloc : memref<!tpu.dma_semaphore, #tpu.memory_space<semaphore_mem>>
          %dma_start3A_175 = arith.constant 0 : i32
          %dma_start3A_176 = tpu.memref_slice %arg7[%add3A_131, %dma_start3A_175] : memref<32x64xi32, #tpu.memory_space<vmem>> -> memref<1x64xi32, #tpu.memory_space<vmem>>
          %dma_start3A_177 = tpu.memref_squeeze %dma_start3A_176 : memref<1x64xi32, #tpu.memory_space<vmem>> -> memref<64xi32, #tpu.memory_space<vmem>>
          %dma_start3A_178 = arith.constant 0 : i32
          %dma_start3A_179 = arith.constant 0 : i32
          %dma_start3A_180 = tpu.memref_slice %arg8[%dma_start3A_178, %dma_start3A_179] : memref<10240x128xf32, #tpu.memory_space<vmem_shared>> -> memref<10240x128xf32, #tpu.memory_space<vmem_shared>>
          tpu.enqueue_indirect_dma source(%arg10 : memref<64x128xf32, #tpu.memory_space<vmem>>) target(%dma_start3A_180 : memref<10240x128xf32, #tpu.memory_space<vmem_shared>>) offsets(%dma_start3A_177 : memref<64xi32, #tpu.memory_space<vmem>>) semaphore(%run_scoped3A : memref<!tpu.dma_semaphore, #tpu.memory_space<semaphore_mem>>) {add = true}
          %dma_wait3A_181 = arith.constant 0 : i32
          %dma_wait3A_182 = tpu.memref_slice %arg7[%add3A_131, %dma_wait3A_181] : memref<32x64xi32, #tpu.memory_space<vmem>> -> memref<1x64xi32, #tpu.memory_space<vmem>>
          %dma_wait3A_183 = tpu.memref_squeeze %dma_wait3A_182 : memref<1x64xi32, #tpu.memory_space<vmem>> -> memref<64xi32, #tpu.memory_space<vmem>>
          %dma_wait3A_184 = arith.constant 0 : i32
          %dma_wait3A_185 = arith.constant 0 : i32
          %dma_wait3A_186 = tpu.memref_slice %arg8[%dma_wait3A_184, %dma_wait3A_185] : memref<10240x128xf32, #tpu.memory_space<vmem_shared>> -> memref<10240x128xf32, #tpu.memory_space<vmem_shared>>
          tpu.wait_indirect_dma semaphore(%run_scoped3A : memref<!tpu.dma_semaphore, #tpu.memory_space<semaphore_mem>>) src(%arg10 : memref<64x128xf32, #tpu.memory_space<vmem>>) dst(%dma_wait3A_186 : memref<10240x128xf32, #tpu.memory_space<vmem_shared>>)
          tpu.yield
        }) : () -> ()
        %add3A_138 = arith.constant 4 : i32
        %add3A_139 = arith.addi %add3A_131, %add3A_138 : i32
        %lt3A_140 = arith.constant 32 : i32
        %lt3A_141 = arith.cmpi slt, %add3A_139, %lt3A_140 : i32
        %convert_element_type3A_142 = arith.extui %lt3A_141 : i1 to i32
        %cond3A_143 = arith.constant 0 : i32
        %cond3A_144 = arith.cmpi ne, %convert_element_type3A_142, %cond3A_143 : i32
        scf.if %cond3A_144 {
          %add3A_175 = arith.constant 4 : i32
          %add3A_176 = arith.addi %add3A_131, %add3A_175 : i32
          %dma_start3A_177 = arith.constant 0 : i32
          %dma_start3A_178 = tpu.memref_slice %arg6[%add3A_176, %dma_start3A_177] : memref<32x64xi32, #tpu.memory_space<vmem>> -> memref<1x64xi32, #tpu.memory_space<vmem>>
          %dma_start3A_179 = tpu.memref_squeeze %dma_start3A_178 : memref<1x64xi32, #tpu.memory_space<vmem>> -> memref<64xi32, #tpu.memory_space<vmem>>
          %dma_start3A_180 = arith.constant 0 : i32
          %dma_start3A_181 = arith.constant 0 : i32
          %dma_start3A_182 = tpu.memref_slice %arg2[%dma_start3A_180, %dma_start3A_181] : memref<10000x128xf32, #tpu.memory_space<hbm>> -> memref<10000x128xf32, #tpu.memory_space<hbm>>
          tpu.enqueue_indirect_dma source(%dma_start3A_182 : memref<10000x128xf32, #tpu.memory_space<hbm>>) target(%arg10 : memref<64x128xf32, #tpu.memory_space<vmem>>) offsets(%dma_start3A_179 : memref<64xi32, #tpu.memory_space<vmem>>) semaphore(%arg14 : memref<!tpu.dma_semaphore, #tpu.memory_space<semaphore_mem>>)
        } else {
        }
        %add3A_145 = arith.constant 2 : i32
        %add3A_146 = arith.addi %mul3A_118, %add3A_145 : i32
        %dma_wait3A_147 = arith.constant 0 : i32
        %dma_wait3A_148 = tpu.memref_slice %arg6[%add3A_146, %dma_wait3A_147] : memref<32x64xi32, #tpu.memory_space<vmem>> -> memref<1x64xi32, #tpu.memory_space<vmem>>
        %dma_wait3A_149 = tpu.memref_squeeze %dma_wait3A_148 : memref<1x64xi32, #tpu.memory_space<vmem>> -> memref<64xi32, #tpu.memory_space<vmem>>
        %dma_wait3A_150 = arith.constant 0 : i32
        %dma_wait3A_151 = arith.constant 0 : i32
        %dma_wait3A_152 = tpu.memref_slice %arg2[%dma_wait3A_150, %dma_wait3A_151] : memref<10000x128xf32, #tpu.memory_space<hbm>> -> memref<10000x128xf32, #tpu.memory_space<hbm>>
        tpu.wait_indirect_dma semaphore(%arg15 : memref<!tpu.dma_semaphore, #tpu.memory_space<semaphore_mem>>) src(%dma_wait3A_152 : memref<10000x128xf32, #tpu.memory_space<hbm>>) dst(%arg11 : memref<64x128xf32, #tpu.memory_space<vmem>>)
        "tpu.region"() ({
          %run_scoped3A = tpu.sem_alloc : memref<!tpu.dma_semaphore, #tpu.memory_space<semaphore_mem>>
          %dma_start3A_175 = arith.constant 0 : i32
          %dma_start3A_176 = tpu.memref_slice %arg7[%add3A_146, %dma_start3A_175] : memref<32x64xi32, #tpu.memory_space<vmem>> -> memref<1x64xi32, #tpu.memory_space<vmem>>
          %dma_start3A_177 = tpu.memref_squeeze %dma_start3A_176 : memref<1x64xi32, #tpu.memory_space<vmem>> -> memref<64xi32, #tpu.memory_space<vmem>>
          %dma_start3A_178 = arith.constant 0 : i32
          %dma_start3A_179 = arith.constant 0 : i32
          %dma_start3A_180 = tpu.memref_slice %arg8[%dma_start3A_178, %dma_start3A_179] : memref<10240x128xf32, #tpu.memory_space<vmem_shared>> -> memref<10240x128xf32, #tpu.memory_space<vmem_shared>>
          tpu.enqueue_indirect_dma source(%arg11 : memref<64x128xf32, #tpu.memory_space<vmem>>) target(%dma_start3A_180 : memref<10240x128xf32, #tpu.memory_space<vmem_shared>>) offsets(%dma_start3A_177 : memref<64xi32, #tpu.memory_space<vmem>>) semaphore(%run_scoped3A : memref<!tpu.dma_semaphore, #tpu.memory_space<semaphore_mem>>) {add = true}
          %dma_wait3A_181 = arith.constant 0 : i32
          %dma_wait3A_182 = tpu.memref_slice %arg7[%add3A_146, %dma_wait3A_181] : memref<32x64xi32, #tpu.memory_space<vmem>> -> memref<1x64xi32, #tpu.memory_space<vmem>>
          %dma_wait3A_183 = tpu.memref_squeeze %dma_wait3A_182 : memref<1x64xi32, #tpu.memory_space<vmem>> -> memref<64xi32, #tpu.memory_space<vmem>>
          %dma_wait3A_184 = arith.constant 0 : i32
          %dma_wait3A_185 = arith.constant 0 : i32
          %dma_wait3A_186 = tpu.memref_slice %arg8[%dma_wait3A_184, %dma_wait3A_185] : memref<10240x128xf32, #tpu.memory_space<vmem_shared>> -> memref<10240x128xf32, #tpu.memory_space<vmem_shared>>
          tpu.wait_indirect_dma semaphore(%run_scoped3A : memref<!tpu.dma_semaphore, #tpu.memory_space<semaphore_mem>>) src(%arg11 : memref<64x128xf32, #tpu.memory_space<vmem>>) dst(%dma_wait3A_186 : memref<10240x128xf32, #tpu.memory_space<vmem_shared>>)
          tpu.yield
        }) : () -> ()
        %add3A_153 = arith.constant 4 : i32
        %add3A_154 = arith.addi %add3A_146, %add3A_153 : i32
        %lt3A_155 = arith.constant 32 : i32
        %lt3A_156 = arith.cmpi slt, %add3A_154, %lt3A_155 : i32
        %convert_element_type3A_157 = arith.extui %lt3A_156 : i1 to i32
        %cond3A_158 = arith.constant 0 : i32
        %cond3A_159 = arith.cmpi ne, %convert_element_type3A_157, %cond3A_158 : i32
        scf.if %cond3A_159 {
          %add3A_175 = arith.constant 4 : i32
          %add3A_176 = arith.addi %add3A_146, %add3A_175 : i32
          %dma_start3A_177 = arith.constant 0 : i32
          %dma_start3A_178 = tpu.memref_slice %arg6[%add3A_176, %dma_start3A_177] : memref<32x64xi32, #tpu.memory_space<vmem>> -> memref<1x64xi32, #tpu.memory_space<vmem>>
          %dma_start3A_179 = tpu.memref_squeeze %dma_start3A_178 : memref<1x64xi32, #tpu.memory_space<vmem>> -> memref<64xi32, #tpu.memory_space<vmem>>
          %dma_start3A_180 = arith.constant 0 : i32
          %dma_start3A_181 = arith.constant 0 : i32
          %dma_start3A_182 = tpu.memref_slice %arg2[%dma_start3A_180, %dma_start3A_181] : memref<10000x128xf32, #tpu.memory_space<hbm>> -> memref<10000x128xf32, #tpu.memory_space<hbm>>
          tpu.enqueue_indirect_dma source(%dma_start3A_182 : memref<10000x128xf32, #tpu.memory_space<hbm>>) target(%arg11 : memref<64x128xf32, #tpu.memory_space<vmem>>) offsets(%dma_start3A_179 : memref<64xi32, #tpu.memory_space<vmem>>) semaphore(%arg15 : memref<!tpu.dma_semaphore, #tpu.memory_space<semaphore_mem>>)
        } else {
        }
        %add3A_160 = arith.constant 3 : i32
        %add3A_161 = arith.addi %mul3A_118, %add3A_160 : i32
        %dma_wait3A_162 = arith.constant 0 : i32
        %dma_wait3A_163 = tpu.memref_slice %arg6[%add3A_161, %dma_wait3A_162] : memref<32x64xi32, #tpu.memory_space<vmem>> -> memref<1x64xi32, #tpu.memory_space<vmem>>
        %dma_wait3A_164 = tpu.memref_squeeze %dma_wait3A_163 : memref<1x64xi32, #tpu.memory_space<vmem>> -> memref<64xi32, #tpu.memory_space<vmem>>
        %dma_wait3A_165 = arith.constant 0 : i32
        %dma_wait3A_166 = arith.constant 0 : i32
        %dma_wait3A_167 = tpu.memref_slice %arg2[%dma_wait3A_165, %dma_wait3A_166] : memref<10000x128xf32, #tpu.memory_space<hbm>> -> memref<10000x128xf32, #tpu.memory_space<hbm>>
        tpu.wait_indirect_dma semaphore(%arg16 : memref<!tpu.dma_semaphore, #tpu.memory_space<semaphore_mem>>) src(%dma_wait3A_167 : memref<10000x128xf32, #tpu.memory_space<hbm>>) dst(%arg12 : memref<64x128xf32, #tpu.memory_space<vmem>>)
        "tpu.region"() ({
          %run_scoped3A = tpu.sem_alloc : memref<!tpu.dma_semaphore, #tpu.memory_space<semaphore_mem>>
          %dma_start3A_175 = arith.constant 0 : i32
          %dma_start3A_176 = tpu.memref_slice %arg7[%add3A_161, %dma_start3A_175] : memref<32x64xi32, #tpu.memory_space<vmem>> -> memref<1x64xi32, #tpu.memory_space<vmem>>
          %dma_start3A_177 = tpu.memref_squeeze %dma_start3A_176 : memref<1x64xi32, #tpu.memory_space<vmem>> -> memref<64xi32, #tpu.memory_space<vmem>>
          %dma_start3A_178 = arith.constant 0 : i32
          %dma_start3A_179 = arith.constant 0 : i32
          %dma_start3A_180 = tpu.memref_slice %arg8[%dma_start3A_178, %dma_start3A_179] : memref<10240x128xf32, #tpu.memory_space<vmem_shared>> -> memref<10240x128xf32, #tpu.memory_space<vmem_shared>>
          tpu.enqueue_indirect_dma source(%arg12 : memref<64x128xf32, #tpu.memory_space<vmem>>) target(%dma_start3A_180 : memref<10240x128xf32, #tpu.memory_space<vmem_shared>>) offsets(%dma_start3A_177 : memref<64xi32, #tpu.memory_space<vmem>>) semaphore(%run_scoped3A : memref<!tpu.dma_semaphore, #tpu.memory_space<semaphore_mem>>) {add = true}
          %dma_wait3A_181 = arith.constant 0 : i32
          %dma_wait3A_182 = tpu.memref_slice %arg7[%add3A_161, %dma_wait3A_181] : memref<32x64xi32, #tpu.memory_space<vmem>> -> memref<1x64xi32, #tpu.memory_space<vmem>>
          %dma_wait3A_183 = tpu.memref_squeeze %dma_wait3A_182 : memref<1x64xi32, #tpu.memory_space<vmem>> -> memref<64xi32, #tpu.memory_space<vmem>>
          %dma_wait3A_184 = arith.constant 0 : i32
          %dma_wait3A_185 = arith.constant 0 : i32
          %dma_wait3A_186 = tpu.memref_slice %arg8[%dma_wait3A_184, %dma_wait3A_185] : memref<10240x128xf32, #tpu.memory_space<vmem_shared>> -> memref<10240x128xf32, #tpu.memory_space<vmem_shared>>
          tpu.wait_indirect_dma semaphore(%run_scoped3A : memref<!tpu.dma_semaphore, #tpu.memory_space<semaphore_mem>>) src(%arg12 : memref<64x128xf32, #tpu.memory_space<vmem>>) dst(%dma_wait3A_186 : memref<10240x128xf32, #tpu.memory_space<vmem_shared>>)
          tpu.yield
        }) : () -> ()
        %add3A_168 = arith.constant 4 : i32
        %add3A_169 = arith.addi %add3A_161, %add3A_168 : i32
        %lt3A_170 = arith.constant 32 : i32
        %lt3A_171 = arith.cmpi slt, %add3A_169, %lt3A_170 : i32
        %convert_element_type3A_172 = arith.extui %lt3A_171 : i1 to i32
        %cond3A_173 = arith.constant 0 : i32
        %cond3A_174 = arith.cmpi ne, %convert_element_type3A_172, %cond3A_173 : i32
        scf.if %cond3A_174 {
          %add3A_175 = arith.constant 4 : i32
          %add3A_176 = arith.addi %add3A_161, %add3A_175 : i32
          %dma_start3A_177 = arith.constant 0 : i32
          %dma_start3A_178 = tpu.memref_slice %arg6[%add3A_176, %dma_start3A_177] : memref<32x64xi32, #tpu.memory_space<vmem>> -> memref<1x64xi32, #tpu.memory_space<vmem>>
          %dma_start3A_179 = tpu.memref_squeeze %dma_start3A_178 : memref<1x64xi32, #tpu.memory_space<vmem>> -> memref<64xi32, #tpu.memory_space<vmem>>
          %dma_start3A_180 = arith.constant 0 : i32
          %dma_start3A_181 = arith.constant 0 : i32
          %dma_start3A_182 = tpu.memref_slice %arg2[%dma_start3A_180, %dma_start3A_181] : memref<10000x128xf32, #tpu.memory_space<hbm>> -> memref<10000x128xf32, #tpu.memory_space<hbm>>
          tpu.enqueue_indirect_dma source(%dma_start3A_182 : memref<10000x128xf32, #tpu.memory_space<hbm>>) target(%arg12 : memref<64x128xf32, #tpu.memory_space<vmem>>) offsets(%dma_start3A_179 : memref<64xi32, #tpu.memory_space<vmem>>) semaphore(%arg16 : memref<!tpu.dma_semaphore, #tpu.memory_space<semaphore_mem>>)
        } else {
        }
      }
      %scan3A_115 = arith.constant 8 : i32
    }
    %scan3A_72 = arith.constant 5 : i32
    %barrier3A_73 = arith.constant 0 : index
    tpu.barrier barrier_id(%barrier3A_73)
    %mul3A_74 = arith.constant 640 : i32
    %mul3A_75 = arith.muli %arg1, %mul3A_74 : i32
    %mul3A_76 = arith.constant 640 : i32
    %mul3A_77 = arith.muli %arg1, %mul3A_76 : i32
    "tpu.region"() ({
      %run_scoped3A = tpu.sem_alloc : memref<!tpu.dma_semaphore, #tpu.memory_space<semaphore_mem>>
      %dma_start3A = arith.constant 0 : i32
      %dma_start3A_78 = tpu.memref_slice %arg5[%arg0, %mul3A_77, %dma_start3A] : memref<2x10240x128xf32, #tpu.memory_space<hbm>> -> memref<1x640x128xf32, #tpu.memory_space<hbm>>
      %dma_start3A_79 = tpu.memref_squeeze %dma_start3A_78 : memref<1x640x128xf32, #tpu.memory_space<hbm>> -> memref<640x128xf32, #tpu.memory_space<hbm>>
      %dma_start3A_80 = arith.constant 0 : i32
      %dma_start3A_81 = tpu.memref_slice %arg8[%mul3A_75, %dma_start3A_80] : memref<10240x128xf32, #tpu.memory_space<vmem_shared>> -> memref<640x128xf32, #tpu.memory_space<vmem_shared>>
      tpu.enqueue_dma source(%dma_start3A_81 : memref<640x128xf32, #tpu.memory_space<vmem_shared>>) target(%dma_start3A_79 : memref<640x128xf32, #tpu.memory_space<hbm>>) target_semaphore(%run_scoped3A : memref<!tpu.dma_semaphore, #tpu.memory_space<semaphore_mem>>)
      %dma_wait3A = arith.constant 0 : i32
      %dma_wait3A_82 = tpu.memref_slice %arg5[%arg0, %mul3A_77, %dma_wait3A] : memref<2x10240x128xf32, #tpu.memory_space<hbm>> -> memref<1x640x128xf32, #tpu.memory_space<hbm>>
      %dma_wait3A_83 = tpu.memref_squeeze %dma_wait3A_82 : memref<1x640x128xf32, #tpu.memory_space<hbm>> -> memref<640x128xf32, #tpu.memory_space<hbm>>
      %dma_wait3A_84 = arith.constant 0 : i32
      %dma_wait3A_85 = tpu.memref_slice %arg8[%mul3A_75, %dma_wait3A_84] : memref<10240x128xf32, #tpu.memory_space<vmem_shared>> -> memref<640x128xf32, #tpu.memory_space<vmem_shared>>
      tpu.wait_dma2 semaphore(%run_scoped3A : memref<!tpu.dma_semaphore, #tpu.memory_space<semaphore_mem>>) src(%dma_wait3A_85 : memref<640x128xf32, #tpu.memory_space<vmem_shared>>) dst(%dma_wait3A_83 : memref<640x128xf32, #tpu.memory_space<hbm>>)
      tpu.yield
    }) : () -> ()
    return
  }
}

module attributes {stable_mosaic.version = 14 : i64} {
  func.func @_stats_body(%arg0: i32, %arg1: memref<2x1000x128xf32, #tpu.memory_space<vmem>>, %arg2: memref<1x128xf32, #tpu.memory_space<vmem>>, %arg3: memref<128x128xf32, #tpu.memory_space<vmem>>) attributes {dimension_semantics = [#tpu.dimension_semantics<arbitrary>], iteration_bounds = array<i64: 10>, scalar_prefetch = 0 : i64, scratch_operands = 0 : i64, tpu.core_type = #tpu.core_type<tc>, window_params = [{transform_indices = @transform_0, window_bounds = array<i64: 2, 1000, 128>}, {pipeline_mode = #tpu.pipeline_mode<synchronous>, transform_indices = @transform_1, window_bounds = array<i64: 1, 128>}, {pipeline_mode = #tpu.pipeline_mode<synchronous>, transform_indices = @transform_2, window_bounds = array<i64: 128, 128>}]} {
    %get3A = arith.constant 0 : index
    %get3A_0 = arith.constant 0 : index
    %get3A_1 = arith.constant 0 : index
    %get3A_2 = vector.load %arg1[%get3A, %get3A_0, %get3A_1] : memref<2x1000x128xf32, #tpu.memory_space<vmem>>, vector<1x1000x128xf32>
    %get3A_3 = vector.shape_cast %get3A_2 : vector<1x1000x128xf32> to vector<1000x128xf32>
    %get3A_4 = arith.constant 1 : index
    %get3A_5 = arith.constant 0 : index
    %get3A_6 = arith.constant 0 : index
    %get3A_7 = vector.load %arg1[%get3A_4, %get3A_5, %get3A_6] : memref<2x1000x128xf32, #tpu.memory_space<vmem>>, vector<1x1000x128xf32>
    %get3A_8 = vector.shape_cast %get3A_7 : vector<1x1000x128xf32> to vector<1000x128xf32>
    %add3A = arith.addf %get3A_3, %get3A_8 : vector<1000x128xf32>
    %reduce_sum3A = arith.constant dense<0.000000e+00> : vector<128xf32>
    %reduce_sum3A_9 = vector.multi_reduction <add>, %add3A, %reduce_sum3A [0] : vector<1000x128xf32> to vector<128xf32>
    %broadcast_in_dim3A = vector.shape_cast %reduce_sum3A_9 : vector<128xf32> to vector<1x128xf32>
    %dot_general3A = arith.constant dense<0.000000e+00> : vector<128x128xf32>
    %dot_general3A_10 = tpu.matmul %add3A, %add3A, %dot_general3A {dimension_numbers = #tpu.dot_dimension_numbers<[0], [0], [1], [1], [0, 1, 1, 1], [], []>, transpose_lhs_hint = false} : vector<1000x128xf32>, vector<1000x128xf32>, vector<128x128xf32> -> vector<128x128xf32>
    %eq3A = arith.constant 0 : i32
    %eq3A_11 = arith.cmpi eq, %arg0, %eq3A : i32
    %convert_element_type3A = arith.extui %eq3A_11 : i1 to i32
    %cond3A = arith.constant 0 : i32
    %cond3A_12 = arith.cmpi ne, %convert_element_type3A, %cond3A : i32
    scf.if %cond3A_12 {
      %swap3A = arith.constant 0 : index
      %swap3A_17 = arith.constant 0 : index
      %swap3A_18 = vector.load %arg2[%swap3A, %swap3A_17] : memref<1x128xf32, #tpu.memory_space<vmem>>, vector<1x128xf32>
      tpu.vector_store %arg2[%swap3A, %swap3A_17], %broadcast_in_dim3A {strides = array<i32>} : memref<1x128xf32, #tpu.memory_space<vmem>>, vector<1x128xf32>,
      %swap3A_19 = arith.constant 0 : index
      %swap3A_20 = arith.constant 0 : index
      %swap3A_21 = vector.load %arg3[%swap3A_19, %swap3A_20] : memref<128x128xf32, #tpu.memory_space<vmem>>, vector<128x128xf32>
      tpu.vector_store %arg3[%swap3A_19, %swap3A_20], %dot_general3A_10 {strides = array<i32>} : memref<128x128xf32, #tpu.memory_space<vmem>>, vector<128x128xf32>,
    } else {
    }
    %gt3A = arith.constant 0 : i32
    %gt3A_13 = arith.cmpi sgt, %arg0, %gt3A : i32
    %convert_element_type3A_14 = arith.extui %gt3A_13 : i1 to i32
    %cond3A_15 = arith.constant 0 : i32
    %cond3A_16 = arith.cmpi ne, %convert_element_type3A_14, %cond3A_15 : i32
    scf.if %cond3A_16 {
      %get3A_17 = arith.constant 0 : index
      %get3A_18 = arith.constant 0 : index
      %get3A_19 = vector.load %arg2[%get3A_17, %get3A_18] : memref<1x128xf32, #tpu.memory_space<vmem>>, vector<1x128xf32>
      %add3A_20 = arith.addf %get3A_19, %broadcast_in_dim3A : vector<1x128xf32>
      %swap3A = arith.constant 0 : index
      %swap3A_21 = arith.constant 0 : index
      %swap3A_22 = vector.load %arg2[%swap3A, %swap3A_21] : memref<1x128xf32, #tpu.memory_space<vmem>>, vector<1x128xf32>
      tpu.vector_store %arg2[%swap3A, %swap3A_21], %add3A_20 {strides = array<i32>} : memref<1x128xf32, #tpu.memory_space<vmem>>, vector<1x128xf32>,
      %get3A_23 = arith.constant 0 : index
      %get3A_24 = arith.constant 0 : index
      %get3A_25 = vector.load %arg3[%get3A_23, %get3A_24] : memref<128x128xf32, #tpu.memory_space<vmem>>, vector<128x128xf32>
      %add3A_26 = arith.addf %get3A_25, %dot_general3A_10 : vector<128x128xf32>
      %swap3A_27 = arith.constant 0 : index
      %swap3A_28 = arith.constant 0 : index
      %swap3A_29 = vector.load %arg3[%swap3A_27, %swap3A_28] : memref<128x128xf32, #tpu.memory_space<vmem>>, vector<128x128xf32>
      tpu.vector_store %arg3[%swap3A_27, %swap3A_28], %add3A_26 {strides = array<i32>} : memref<128x128xf32, #tpu.memory_space<vmem>>, vector<128x128xf32>,
    } else {
    }
    return
  }
  func.func @transform_0(%arg0: i32) -> (i32, i32, i32) {
    %c0_i32 = arith.constant 0 : i32
    %c0_i32_0 = arith.constant 0 : i32
    %c0_i32_1 = arith.constant 0 : i32
    return %c0_i32, %arg0, %c0_i32_0 : i32, i32, i32
  }
  func.func @transform_1(%arg0: i32) -> (i32, i32) {
    %c0_i32 = arith.constant 0 : i32
    %c0_i32_0 = arith.constant 0 : i32
    %c0_i32_1 = arith.constant 0 : i32
    return %c0_i32, %c0_i32_0 : i32, i32
  }
  func.func @transform_2(%arg0: i32) -> (i32, i32) {
    %c0_i32 = arith.constant 0 : i32
    %c0_i32_0 = arith.constant 0 : i32
    %c0_i32_1 = arith.constant 0 : i32
    return %c0_i32, %c0_i32_0 : i32, i32
  }
}

module attributes {stable_mosaic.version = 14 : i64} {
  func.func @_mlp_body(%arg0: i32, %arg1: memref<2x1000x128xf32, #tpu.memory_space<vmem>>, %arg2: memref<1000x128xf32, #tpu.memory_space<vmem>>, %arg3: memref<128x256xf32, #tpu.memory_space<vmem>>, %arg4: memref<1x256xf32, #tpu.memory_space<vmem>>, %arg5: memref<1x256xf32, #tpu.memory_space<vmem>>, %arg6: memref<256x128xf32, #tpu.memory_space<vmem>>, %arg7: memref<1x128xf32, #tpu.memory_space<vmem>>, %arg8: memref<1x128xf32, #tpu.memory_space<vmem>>, %arg9: memref<128x128xf32, #tpu.memory_space<vmem>>, %arg10: memref<1000x128xf32, #tpu.memory_space<vmem>>) attributes {dimension_semantics = [#tpu.dimension_semantics<arbitrary>], iteration_bounds = array<i64: 10>, scalar_prefetch = 0 : i64, scratch_operands = 0 : i64, tpu.core_type = #tpu.core_type<tc>, window_params = [{transform_indices = @transform_0, window_bounds = array<i64: 2, 1000, 128>}, {transform_indices = @transform_1, window_bounds = array<i64: 1000, 128>}, {pipeline_mode = #tpu.pipeline_mode<synchronous>, transform_indices = @transform_2, window_bounds = array<i64: 128, 256>}, {pipeline_mode = #tpu.pipeline_mode<synchronous>, transform_indices = @transform_3, window_bounds = array<i64: 1, 256>}, {pipeline_mode = #tpu.pipeline_mode<synchronous>, transform_indices = @transform_4, window_bounds = array<i64: 1, 256>}, {pipeline_mode = #tpu.pipeline_mode<synchronous>, transform_indices = @transform_5, window_bounds = array<i64: 256, 128>}, {pipeline_mode = #tpu.pipeline_mode<synchronous>, transform_indices = @transform_6, window_bounds = array<i64: 1, 128>}, {pipeline_mode = #tpu.pipeline_mode<synchronous>, transform_indices = @transform_7, window_bounds = array<i64: 1, 128>}, {pipeline_mode = #tpu.pipeline_mode<synchronous>, transform_indices = @transform_8, window_bounds = array<i64: 128, 128>}, {transform_indices = @transform_9, window_bounds = array<i64: 1000, 128>}]} {
    %get3A = arith.constant 0 : index
    %get3A_0 = arith.constant 0 : index
    %get3A_1 = vector.load %arg3[%get3A, %get3A_0] : memref<128x256xf32, #tpu.memory_space<vmem>>, vector<128x256xf32>
    %get3A_2 = arith.constant 0 : index
    %get3A_3 = arith.constant 0 : index
    %get3A_4 = vector.load %arg8[%get3A_2, %get3A_3] : memref<1x128xf32, #tpu.memory_space<vmem>>, vector<1x128xf32>
    %mul3A = arith.constant 9.99999974E-5 : f32
    %mul3A_5 = vector.broadcast %mul3A : f32 to vector<1x128xf32>
    %mul3A_6 = arith.mulf %get3A_4, %mul3A_5 : vector<1x128xf32>
    %dot_general3A = arith.constant dense<0.000000e+00> : vector<1x256xf32>
    %dot_general3A_7 = tpu.matmul %mul3A_6, %get3A_1, %dot_general3A {dimension_numbers = #tpu.dot_dimension_numbers<[1], [0], [0], [1], [0, 0, 1, 1], [], []>, transpose_lhs_hint = false} : vector<1x128xf32>, vector<128x256xf32>, vector<1x256xf32> -> vector<1x256xf32>
    %get3A_8 = arith.constant 0 : index
    %get3A_9 = arith.constant 0 : index
    %get3A_10 = vector.load %arg9[%get3A_8, %get3A_9] : memref<128x128xf32, #tpu.memory_space<vmem>>, vector<128x128xf32>
    %dot_general3A_11 = arith.constant dense<0.000000e+00> : vector<128x256xf32>
    %dot_general3A_12 = tpu.matmul %get3A_10, %get3A_1, %dot_general3A_11 {dimension_numbers = #tpu.dot_dimension_numbers<[1], [0], [0], [1], [0, 0, 1, 1], [], []>, transpose_lhs_hint = false} : vector<128x128xf32>, vector<128x256xf32>, vector<128x256xf32> -> vector<128x256xf32>
    %mul3A_13 = arith.mulf %get3A_1, %dot_general3A_12 : vector<128x256xf32>
    %reduce_sum3A = arith.constant dense<0.000000e+00> : vector<256xf32>
    %reduce_sum3A_14 = vector.multi_reduction <add>, %mul3A_13, %reduce_sum3A [0] : vector<128x256xf32> to vector<256xf32>
    %broadcast_in_dim3A = vector.shape_cast %reduce_sum3A_14 : vector<256xf32> to vector<1x256xf32>
    %mul3A_15 = arith.constant 9.99999974E-5 : f32
    %mul3A_16 = vector.broadcast %mul3A_15 : f32 to vector<1x256xf32>
    %mul3A_17 = arith.mulf %broadcast_in_dim3A, %mul3A_16 : vector<1x256xf32>
    %mul3A_18 = arith.mulf %dot_general3A_7, %dot_general3A_7 : vector<1x256xf32>
    %sub3A = arith.subf %mul3A_17, %mul3A_18 : vector<1x256xf32>
    %add3A = arith.constant 9.99999974E-6 : f32
    %add3A_19 = vector.broadcast %add3A : f32 to vector<1x256xf32>
    %add3A_20 = arith.addf %sub3A, %add3A_19 : vector<1x256xf32>
    %rsqrt3A = math.rsqrt %add3A_20 : vector<1x256xf32>
    %get3A_21 = arith.constant 0 : index
    %get3A_22 = arith.constant 0 : index
    %get3A_23 = vector.load %arg4[%get3A_21, %get3A_22] : memref<1x256xf32, #tpu.memory_space<vmem>>, vector<1x256xf32>
    %mul3A_24 = arith.mulf %rsqrt3A, %get3A_23 : vector<1x256xf32>
    %get3A_25 = arith.constant 0 : index
    %get3A_26 = arith.constant 0 : index
    %get3A_27 = vector.load %arg5[%get3A_25, %get3A_26] : memref<1x256xf32, #tpu.memory_space<vmem>>, vector<1x256xf32>
    %mul3A_28 = arith.mulf %dot_general3A_7, %mul3A_24 : vector<1x256xf32>
    %sub3A_29 = arith.subf %get3A_27, %mul3A_28 : vector<1x256xf32>
    %get3A_30 = arith.constant 0 : index
    %get3A_31 = arith.constant 0 : index
    %get3A_32 = arith.constant 0 : index
    %get3A_33 = vector.load %arg1[%get3A_30, %get3A_31, %get3A_32] : memref<2x1000x128xf32, #tpu.memory_space<vmem>>, vector<1x1000x128xf32>
    %get3A_34 = vector.shape_cast %get3A_33 : vector<1x1000x128xf32> to vector<1000x128xf32>
    %get3A_35 = arith.constant 1 : index
    %get3A_36 = arith.constant 0 : index
    %get3A_37 = arith.constant 0 : index
    %get3A_38 = vector.load %arg1[%get3A_35, %get3A_36, %get3A_37] : memref<2x1000x128xf32, #tpu.memory_space<vmem>>, vector<1x1000x128xf32>
    %get3A_39 = vector.shape_cast %get3A_38 : vector<1x1000x128xf32> to vector<1000x128xf32>
    %add3A_40 = arith.addf %get3A_34, %get3A_39 : vector<1000x128xf32>
    %dot_general3A_41 = arith.constant dense<0.000000e+00> : vector<1000x256xf32>
    %dot_general3A_42 = tpu.matmul %add3A_40, %get3A_1, %dot_general3A_41 {dimension_numbers = #tpu.dot_dimension_numbers<[1], [0], [0], [1], [0, 0, 1, 1], [], []>, transpose_lhs_hint = false} : vector<1000x128xf32>, vector<128x256xf32>, vector<1000x256xf32> -> vector<1000x256xf32>
    %mul3A_43 = vector.broadcast %mul3A_24 : vector<1x256xf32> to vector<1000x256xf32>
    %mul3A_44 = arith.mulf %dot_general3A_42, %mul3A_43 : vector<1000x256xf32>
    %add3A_45 = vector.broadcast %sub3A_29 : vector<1x256xf32> to vector<1000x256xf32>
    %add3A_46 = arith.addf %mul3A_44, %add3A_45 : vector<1000x256xf32>
    %max3A = arith.constant 0.000000e+00 : f32
    %max3A_47 = vector.broadcast %max3A : f32 to vector<1000x256xf32>
    %max3A_48 = arith.maximumf %add3A_46, %max3A_47 : vector<1000x256xf32>
    %get3A_49 = arith.constant 0 : index
    %get3A_50 = arith.constant 0 : index
    %get3A_51 = vector.load %arg2[%get3A_49, %get3A_50] : memref<1000x128xf32, #tpu.memory_space<vmem>>, vector<1000x128xf32>
    %get3A_52 = arith.constant 0 : index
    %get3A_53 = arith.constant 0 : index
    %get3A_54 = vector.load %arg7[%get3A_52, %get3A_53] : memref<1x128xf32, #tpu.memory_space<vmem>>, vector<1x128xf32>
    %add3A_55 = vector.broadcast %get3A_54 : vector<1x128xf32> to vector<1000x128xf32>
    %add3A_56 = arith.addf %get3A_51, %add3A_55 : vector<1000x128xf32>
    %get3A_57 = arith.constant 0 : index
    %get3A_58 = arith.constant 0 : index
    %get3A_59 = vector.load %arg6[%get3A_57, %get3A_58] : memref<256x128xf32, #tpu.memory_space<vmem>>, vector<256x128xf32>
    %dot_general3A_60 = arith.constant dense<0.000000e+00> : vector<1000x128xf32>
    %dot_general3A_61 = tpu.matmul %max3A_48, %get3A_59, %dot_general3A_60 {dimension_numbers = #tpu.dot_dimension_numbers<[1], [0], [0], [1], [0, 0, 1, 1], [], []>, transpose_lhs_hint = false} : vector<1000x256xf32>, vector<256x128xf32>, vector<1000x128xf32> -> vector<1000x128xf32>
    %add3A_62 = arith.addf %add3A_56, %dot_general3A_61 : vector<1000x128xf32>
    %swap3A = arith.constant 0 : index
    %swap3A_63 = arith.constant 0 : index
    %swap3A_64 = vector.load %arg10[%swap3A, %swap3A_63] : memref<1000x128xf32, #tpu.memory_space<vmem>>, vector<1000x128xf32>
    tpu.vector_store %arg10[%swap3A, %swap3A_63], %add3A_62 {strides = array<i32>} : memref<1000x128xf32, #tpu.memory_space<vmem>>, vector<1000x128xf32>,
    return
  }
  func.func @transform_0(%arg0: i32) -> (i32, i32, i32) {
    %c0_i32 = arith.constant 0 : i32
    %c0_i32_0 = arith.constant 0 : i32
    %c0_i32_1 = arith.constant 0 : i32
    return %c0_i32, %arg0, %c0_i32_0 : i32, i32, i32
  }
  func.func @transform_1(%arg0: i32) -> (i32, i32) {
    %c0_i32 = arith.constant 0 : i32
    %c0_i32_0 = arith.constant 0 : i32
    return %arg0, %c0_i32 : i32, i32
  }
  func.func @transform_2(%arg0: i32) -> (i32, i32) {
    %c0_i32 = arith.constant 0 : i32
    %c0_i32_0 = arith.constant 0 : i32
    %c0_i32_1 = arith.constant 0 : i32
    return %c0_i32, %c0_i32_0 : i32, i32
  }
  func.func @transform_3(%arg0: i32) -> (i32, i32) {
    %c0_i32 = arith.constant 0 : i32
    %c0_i32_0 = arith.constant 0 : i32
    %c0_i32_1 = arith.constant 0 : i32
    return %c0_i32, %c0_i32_0 : i32, i32
  }
  func.func @transform_4(%arg0: i32) -> (i32, i32) {
    %c0_i32 = arith.constant 0 : i32
    %c0_i32_0 = arith.constant 0 : i32
    %c0_i32_1 = arith.constant 0 : i32
    return %c0_i32, %c0_i32_0 : i32, i32
  }
  func.func @transform_5(%arg0: i32) -> (i32, i32) {
    %c0_i32 = arith.constant 0 : i32
    %c0_i32_0 = arith.constant 0 : i32
    %c0_i32_1 = arith.constant 0 : i32
    return %c0_i32, %c0_i32_0 : i32, i32
  }
  func.func @transform_6(%arg0: i32) -> (i32, i32) {
    %c0_i32 = arith.constant 0 : i32
    %c0_i32_0 = arith.constant 0 : i32
    %c0_i32_1 = arith.constant 0 : i32
    return %c0_i32, %c0_i32_0 : i32, i32
  }
  func.func @transform_7(%arg0: i32) -> (i32, i32) {
    %c0_i32 = arith.constant 0 : i32
    %c0_i32_0 = arith.constant 0 : i32
    %c0_i32_1 = arith.constant 0 : i32
    return %c0_i32, %c0_i32_0 : i32, i32
  }
  func.func @transform_8(%arg0: i32) -> (i32, i32) {
    %c0_i32 = arith.constant 0 : i32
    %c0_i32_0 = arith.constant 0 : i32
    %c0_i32_1 = arith.constant 0 : i32
    return %c0_i32, %c0_i32_0 : i32, i32
  }
  func.func @transform_9(%arg0: i32) -> (i32, i32) {
    %c0_i32 = arith.constant 0 : i32
    %c0_i32_0 = arith.constant 0 : i32
    return %arg0, %c0_i32 : i32, i32
  }
}

</mosaic_0001>

<sc_bundles>
// kernel: kernel.5.cloned.1.call-start
scs
__scs_entry_jumppad:
0x0: {  	(pc) =	sbr.rel $0x88, $3  }
0x1: {  	(tag) =	ssettag $0x0;
	lr =	simm.s32 $0x1  }
0x2: {  	[smem:$0x3F9A] =	sst lr;
	_ =	strace $0xD0000000  }
0x3: {  	_ = 	snop  }
0x4: {  	_ = 	snop  }
0x5: {  	_ = 	snop  }
0x6: {  	_ = 	snop  }
0x7: {  	_ = 	snop  }
__scs_overlays_trampoline_lowered:
0x8: {  	[smem:$0x3FA9] =	sst s0  }
0x9: {  	[smem:$0x3FAA] =	sst s1  }
0xa: {  	[smem:$0x3FAB] =	sst s2  }
0xb: {  	[smem:$0x3FAC] =	sst s3  }
0xc: {  	[smem:$0x3FAD] =	sst s4  }
0xd: {  	[smem:$0x3FAE] =	sst s5  }
0xe: {  	[smem:$0x3FAF] =	sst s6  }
0xf: {  	[smem:$0x3FB0] =	sst s7  }
0x10: {  	[smem:$0x3FB1] =	sst s8  }
0x11: {  	[smem:$0x3FB2] =	sst s9;
	s0 =	simm.s32 @!p0 $0x0  }
0x12: {  	s1 =	sld [smem:$0x3F98];
	s0 =	simm.s32 @p0 $0x1  }
0x13: {  	[smem:$0x3FB3] =	sst s0;
	s0 =	simm.s32 @!p1 $0x0  }
0x14: {  	s2 =	sld [smem:$0x3F97];
	s0 =	simm.s32 @p1 $0x1  }
0x15: {  	[smem:$0x3FB4] =	sst s0;
	s0 =	simm.s32 @!p2 $0x0  }
0x16: {  	s3 =	sld [smem:$0x3FDB];
	s0 =	simm.s32 @p2 $0x1  }
0x17: {  	s4 =	simm.s32 $0x1BF5;
	[smem:$0x3FB6] =	sst s0  }
0x18: {  	s0 =	sld [smem:$0x3F99];
	_ =	swait.ge [sflag:s4], $0x0  }
0x19: {  	s7 =	sld [smem:$0x3F9A]  }
0x1a: {  	s8 =	sadd.s32 $0xFFFFE003, lr  }
0x1b: {  	s9 =	sadd.s32 $0xFFFFFEF7, lr;
	s5 =	simm.s32 $0xFFFFFFFF;
	p2 =	slt.u32 s8, $0xFFFFF086  }
0x1c: {  	p1 =	slt.u32 s9, $0xF7A;
	s5 =	simm.s32 @!p2 $0x0  }
0x1d: {  	s5 =	simm.s32 @p1 $0x1;
	p0 =	seq.s32 s7, s2  }
0x1e: {  	s7 =	smul.u32 @!p0 $0xF7A, s2;
	p2 =	seq.s32 @!p0 s5, $0x0  }
0x1f: {  	s9 =	smul.u32 $0xF7A, s1;
	s8 =	simm.s32 @!p0 $0x1BF5;
	p2 =	por !p2, p0  }
0x20: {  	[sflag:s8] =	ssyncset.s32 @!p0 $0xFFFFF086;
	s6 =	sadd.s32 @!p0 s3, s7;
	s7 =	simm.s32 @!p0 $0x108  }
0x21: {  	s3 =	sadd.s32 s3, s9;
	s6 =	sadd.s32 @!p0 $0x88, s6;
	s7 =	simm.s32 @p2 $0x1082  }
0x22: {  	[simem:s7], [sflag:s8] =	dma.local @!p0 [hbm:s6], $0xF7A  }
0x23: {  	s9 =	sor.u32 $0xD0000000, s2;
	s6 =	simm.s32 $0x108;
	_ =	swait.ge @!p0 [sflag:s8], $0x0  }
0x24: {  	s3 =	sadd.s32 $0x88, s3;
	s6 =	simm.s32 @!p1 $0x1082;
	[sflag:s4] =	ssyncset.s32 $0xFFFFF086  }
0x25: {  	[simem:s6], [sflag:s4] =	dma.local [hbm:s3], $0xF7A  }
0x26: {  	[smem:$0x3F9A] =	sst s1;
	(tag) =	ssettag s2;
	_ =	strace s9  }
0x27: {  	s1 =	sld [smem:$0x3FAA]  }
0x28: {  	s2 =	sld [smem:$0x3FAB]  }
0x29: {  	s4 =	sld [smem:$0x3FAD]  }
0x2a: {  	p0 =	seq.s32 s5, $0x0;
	s5 =	sld [smem:$0x3FAE]  }
0x2b: {  	s6 =	sld [smem:$0x3FAF]  }
0x2c: {  	s7 =	sld [smem:$0x3FB0]  }
0x2d: {  	s3 =	simm.s32 $0x108;
	s8 =	sld [smem:$0x3FB1]  }
0x2e: {  	s3 =	simm.s32 @!p0 $0x1082;
	s9 =	sld [smem:$0x3FB2]  }
0x2f: {  	lr =	sadd.s32 s0, s3;
	s0 =	sld [smem:$0x3FA9]  }
0x30: {  	s3 =	sld [smem:$0x3FAC]  }
0x31: {  	[smem:$0x3FB5] =	sst s10  }
0x32: {  	s10 =	sld [smem:$0x3FB3];
	_ =	sdelay $0x3  }
0x33: {  	p0 =	seq.s32 s10, $0x1;
	s10 =	sld [smem:$0x3FB5];
	_ =	sdelay $0x3  }
0x34: {  	[smem:$0x3FB5] =	sst s10  }
0x35: {  	s10 =	sld [smem:$0x3FB4];
	_ =	sdelay $0x3  }
0x36: {  	p1 =	seq.s32 s10, $0x1;
	s10 =	sld [smem:$0x3FB5];
	_ =	sdelay $0x3  }
0x37: {  	[smem:$0x3FB5] =	sst s10  }
0x38: {  	s10 =	sld [smem:$0x3FB6]  }
0x39: {  	_ = 	snop;
	(pc) =	sbr.ind lr, $3  }
0x3a: {  	_ = 	snop  }
0x3b: {  	_ = 	snop  }
0x3c: {  	p2 =	seq.s32 s10, $0x1;
	s10 =	sld [smem:$0x3FB5]  }
0x3d: {  	_ =	shalt  }
0x3e: {  	_ =	shalt  }
0x3f: {  	_ =	shalt  }
0x40: {  	_ =	shalt  }
0x41: {  	_ =	shalt  }
0x42: {  	_ =	shalt  }
0x43: {  	_ =	shalt  }
0x44: {  	_ =	shalt  }
0x45: {  	_ =	shalt  }
0x46: {  	_ =	shalt  }
0x47: {  	_ =	shalt  }
0x48: {  	_ =	shalt  }
0x49: {  	_ =	shalt  }
0x4a: {  	_ =	shalt  }
0x4b: {  	_ =	shalt  }
0x4c: {  	_ =	shalt  }
0x4d: {  	_ =	shalt  }
0x4e: {  	_ =	shalt  }
0x4f: {  	_ =	shalt  }
0x50: {  	_ =	shalt  }
0x51: {  	_ =	shalt  }
0x52: {  	_ =	shalt  }
0x53: {  	_ =	shalt  }
0x54: {  	_ =	shalt  }
0x55: {  	_ =	shalt  }
0x56: {  	_ =	shalt  }
0x57: {  	_ =	shalt  }
0x58: {  	_ =	shalt  }
0x59: {  	_ =	shalt  }
0x5a: {  	_ =	shalt  }
0x5b: {  	_ =	shalt  }
0x5c: {  	_ =	shalt  }
0x5d: {  	_ =	shalt  }
0x5e: {  	_ =	shalt  }
0x5f: {  	_ =	shalt  }
0x60: {  	_ =	shalt  }
0x61: {  	_ =	shalt  }
0x62: {  	_ =	shalt  }
0x63: {  	_ =	shalt  }
0x64: {  	_ =	shalt  }
0x65: {  	_ =	shalt  }
0x66: {  	_ =	shalt  }
0x67: {  	_ =	shalt  }
0x68: {  	_ =	shalt  }
0x69: {  	_ =	shalt  }
0x6a: {  	_ =	shalt  }
0x6b: {  	_ =	shalt  }
0x6c: {  	_ =	shalt  }
0x6d: {  	_ =	shalt  }
0x6e: {  	_ =	shalt  }
0x6f: {  	_ =	shalt  }
0x70: {  	_ =	shalt  }
0x71: {  	_ =	shalt  }
0x72: {  	_ =	shalt  }
0x73: {  	_ =	shalt  }
0x74: {  	_ =	shalt  }
0x75: {  	_ =	shalt  }
0x76: {  	_ =	shalt  }
0x77: {  	_ =	shalt  }
0x78: {  	_ =	shalt  }
0x79: {  	_ =	shalt  }
0x7a: {  	_ =	shalt  }
0x7b: {  	_ =	shalt  }
0x7c: {  	_ =	shalt  }
0x7d: {  	_ =	shalt  }
0x7e: {  	_ =	shalt  }
0x7f: {  	_ =	shalt  }
0x80: {  	_ =	shalt  }
0x81: {  	_ =	shalt  }
0x82: {  	_ =	shalt  }
0x83: {  	_ =	shalt  }
0x84: {  	_ =	shalt  }
0x85: {  	_ =	shalt  }
0x86: {  	_ =	shalt  }
0x87: {  	_ =	shalt  }
.Lfunc_end0:
.L_simem_size_0:
called_computation_lowered:
.L_overlay_start_0:
0x88: {  	s2 =	sld [smem:$0x3FD9]  }
0x89: {  	s3 =	sld [smem:$0x3FFE];
	_ =	sdelay $0x1  }
0x8a: {  	s1 =	srdreg.scid  }
0x8b: {  	s0 =	sand.u32 $0x1, s1  }
0x8c: {  	s17 =	sshll.u32 s0, $0xA;
	s2 =	sadd.s32 s3, s2  }
0x8d: {  	s2 =	sadd.s32 s2, s17  }
0x8e: {  	[smem:$0x3FC1] =	sst s2  }
0x8f: {  	_ = 	snop  }
0x90: {  	s2 =	sld [smem:$0x3FC9]  }
0x91: {  	s18 =	sld [smem:$0x3FD0];
	(tm) =	ssettm $0x1  }
0x92: {  	s4 =	sld [smem:$0x3FFB];
	_ =	sdelay $0x3  }
0x93: {  	_ =	strace s4  }
0x94: {  	s4 =	sld [smem:$0x3FFC];
	_ =	sdelay $0x3  }
0x95: {  	_ =	strace s4  }
0x96: {  	s4 =	sld [smem:$0x3FFD];
	_ =	sdelay $0x3  }
0x97: {  	_ =	strace s4  }
0x98: {  	_ =	strace $0x8FFFFFFF  }
0x99: {  	s19 =	sld [smem:$0x3FDB];
	_ =	sdelay $0x1  }
0x9a: {  	s5 =	simm.s32 $_scs_section_size  }
0x9b: {  	s6 =	simm.s32 $_size__tile_overlayer_lowered;
	s7 =	simm.s32 $_tile_overlayer_lowered  }
0x9c: {  	s22 =	simm.s32 $0x1BFF;
	s21 =	sshll.u32 s7, $0x1;
	s4 =	sadd.s32 s5, s19  }
0x9d: {  	s8 =	simm.s32 $0x0;
	s20 =	sshll.u32 s6, $0x1;
	s6 =	sadd.s32 s21, s4  }
0x9e: {  	[timem:s8], [sflag:s22] =	dma.local [hbm:s6], s20  }
0x9f: {  	_ =	swait.ge [sflag:s22], s20  }
0xa0: {  	s5 =	ssub.s32 $0x0, s20;
	[sflag:s22] =	ssyncset.done $0x0  }
0xa1: {  	[sflag:s22] =	ssyncadd.s32 s5;
	_ =	sdelay $0x1  }
0xa2: {  	s23 =	simm.s32 $0x1B8B  }
0xa3: {  	_ =	swait.ge [sflag:s23], $0x1  }
0xa4: {  	[sflag:s23] =	ssyncset.done $0x0  }
0xa5: {  	s25 =	simm.s32 $0x1B8E;
	s24 =	sld [smem:$0x3FFE];
	[sflag:s23] =	ssyncadd.s32 $0xFFFFFFFF  }
0xa6: {  	s26 =	simm.s32 $execute0_lowered;
	[smem:$0x3FD2] =	sst s25  }
0xa7: {  	s6 =	sshll.u32 s26, $0x1;
	_ =	strace $0x80000046;
	[dreg:$0x1] =	wrdreg $0xFFFFFFFF  }
0xa8: {  	s28 =	simm.s32 $_size_execute0_lowered;
	s4 =	sadd.s32 s4, s6;
	[dreg:$0x0] =	wrdreg $0x0  }
0xa9: {  	s6 =	sshll.u32 s28, $0x1;
	[dreg:$0x2] =	wrdreg s4  }
0xaa: {  	[dreg:$0x3] =	wrdreg s6  }
0xab: {  	[dreg:$0x4] =	wrdreg $0xC0  }
0xac: {  	_ =	task [dreg:s8], $0x5FFFF  }
0xad: {  	[dreg:$0x1] =	wrdreg $0xFFFFFFFF  }
0xae: {  	[dreg:$0x0] =	wrdreg $0x60  }
0xaf: {  	[dreg:$0x2] =	wrdreg s2  }
0xb0: {  	[dreg:$0x3] =	wrdreg s18  }
0xb1: {  	[dreg:$0x4] =	wrdreg s24  }
0xb2: {  	[dreg:$0x5] =	wrdreg $0x20000  }
0xb3: {  	[dreg:$0x6] =	wrdreg $0x9  }
0xb4: {  	_ =	task.clear_ibuf [dreg:s8], $0x7FFFF;
	_ =	strace $0x90000046  }
0xb5: {  	s29 =	simm.s32 $0x9;
	_ =	strace $0x80000048  }
0xb6: {  	_ =	swait.ge [sflag:s29], $0x1  }
0xb7: {  	[sflag:s29] =	ssyncadd.s32 $0xFFFFFFFF  }
0xb8: {  	_ =	strace $0x90000048  }
0xb9: {  	_ =	sfence  }
0xba: {  	s30 =	sld [smem:$0x0];
	_ =	sdelay $0x2  }
0xbb: {  	s31 =	sshll.u32 s1, $0xD;
	s1 =	sshrl.u32 s1, $0x2  }
0xbc: {  	s3 =	sand.u32 $0x4000, s31;
	s1 =	sadd.s32 s1, s30  }
0xbd: {  	s0 =	sor.u32 s3, s0;
	s1 =	sshll.u32 s1, $0x11  }
0xbe: {  	s0 =	sor.u32 s1, s0  }
0xbf: {  	s0 =	sadd.s32 $0x8F2B, s0  }
0xc0: {  	[sflag:s0] =	ssyncadd.remote.s32 $0x1  }
0xc1: {  	_ =	sfence.sel $0xFFFF  }
0xc2: {  	[dreg:$0x0] =	wrdreg $0xFFFFFFFF;
	(pc) =	sbr.abs _section_cstart, $3  }
0xc3: {  	[dreg:$0x1] =	wrdreg $0xFFFFFFFF  }
0xc4: {  	_ =	task.clear_ibuf [dreg:s8], $0x2FFFF;
	_ =	strace $0x9FFFFFFF  }
0xc5: {  	(tm) =	ssettm $0x7FFFFFFF  }
tec
execute0_lowered:
.L_overlay_start_1:
0x0: {  	(tag) =	ssettag $0x1  }
0x1: {  	s0 =	rddreg [dreg:$0x0]  }
0x2: {  	s2 =	rddreg [dreg:$0x1]  }
0x3: {  	s1 =	srdreg.scid;
	s10 =	stileid.u32  }
0x4: {  	s3 =	rddreg [dreg:$0x2];
	s1 =	sand.u32 $0x1, s1;
	s7 =	smul.u32 $0x14000, s10  }
0x5: {  	s4 =	rddreg [dreg:$0x3];
	s5 =	simm.s32 $0x0;
	s6 =	smul.u32 $0x140000, s1  }
0x6: {  	s28 =	simm.s32 $0x1A000;
	s29 =	simm.s32 $0x180;
	s8 =	smul.u32 $0x50000, s10  }
0x7: {  	s30 =	simm.s32 $0x1C000;
	s31 =	simm.s32 $0x1;
	s6 =	sadd.s32 s7, s6  }
0x8: {  	s11 =	simm.s32 $0x1F00;
	s8 =	sshrl.u32 s8, $0x2;
	s7 =	sshrl.u32 s6, $0x3  }
0x9: {  	s6 =	sadd.s32 $0x1400, s3;
	s3 =	sadd.s32 s7, s3;
	s7 =	sadd.s32 s8, s4  }
0xa: {  	s12 =	simm.s32 $0x1F80;
	[smem:$0x7FF] =	sst s5;
	s8 =	sadd.s32 $0x2000, s7  }
0xb: {  	_ =	strace $0x80000047;
	s18 =	sadd.s32 $0x4000, s7;
	[dreg:$0x5] =	wrdreg s8  }
0xc: {  	s10 =	sshll.u32 s10, $0x1;
	s19 =	sadd.s32 $0x6000, s7;
	[dreg:$0x6] =	wrdreg s18  }
0xd: {  	s17 =	ssub.s32 $0x2, s1;
	s20 =	sadd.s32 $0x8000, s7;
	[dreg:$0x7] =	wrdreg s19  }
0xe: {  	s1 =	sor.u32 s1, s10;
	s21 =	sadd.s32 $0xA000, s7;
	[dreg:$0x8] =	wrdreg s20  }
0xf: {  	s10 =	simm.s32 $0x1E80;
	s22 =	sadd.s32 $0xC000, s7;
	[dreg:$0x9] =	wrdreg s21  }
0x10: {  	s9 =	sshrl.u32 s17, $0x1;
	s23 =	sadd.s32 $0xE000, s7;
	[dreg:$0xa] =	wrdreg s22  }
0x11: {  	s9 =	ssub.s32 s17, s9;
	s24 =	sadd.s32 $0x10000, s7;
	[dreg:$0xb] =	wrdreg s23  }
0x12: {  	s17 =	smul.u32 $0x5000, s1;
	s25 =	sadd.s32 $0x12000, s7;
	[dreg:$0xc] =	wrdreg s24  }
0x13: {  	s1 =	simm.s32 $0x3;
	s26 =	sadd.s32 $0x15400, s3;
	[dreg:$0xd] =	wrdreg s25  }
0x14: {  	s3 =	simm.s32 $0x2;
	[dreg:$0xe] =	wrdreg s26;
	s19 =	smax.u32 s9, $0x1  }
0x15: {  	s20 =	simm.s32 $0x16000;
	s21 =	simm.s32 $0x5;
	s22 =	simm.s32 $0x1000  }
0x16: {  	s23 =	simm.s32 $0x40;
	s24 =	simm.s32 $0x80;
	s25 =	simm.s32 $0x18000  }
0x17: {  	v0 =	vimm.f32 $0.0e+00;
	s26 =	simm.s32 $0x100;
	s8 =	simm.s32 $0x4;
	s9 =	simm.s32 $0x1E00  }
.LBB2_1:
0x18: {  	s13 =	simm.s32 $0x0;
	s14 =	simm.s32 $0x200  }
.LBB2_2:
0x19: {  	p0 =	sne.s32 s14, $0x7E00;
	[tilespmem:s13+$0x16070] =	vst v0  }
0x1a: {  	[tilespmem:s13+$0x16000] =	vst v0  }
0x1b: {  	[tilespmem:s13+$0x16010] =	vst v0  }
.Ltmp0:
0x1c: {  	[tilespmem:s13+$0x16020] =	vst v0;
	(pc) =	sbr.rel @p0 .LBB2_2-.Ltmp0, $4  }
0x1d: {  	[tilespmem:s13+$0x16030] =	vst v0  }
0x1e: {  	[tilespmem:s13+$0x16040] =	vst v0  }
0x1f: {  	[tilespmem:s13+$0x16050] =	vst v0  }
0x20: {  	[tilespmem:s13+$0x16060] =	vst v0;
	s13 =	sshra.s32 s14, $0x2;
	s14 =	sadd.s32 $0x200, s14  }
0x21: {  	[tilespmem:s13+$0x16070] =	vst v0  }
0x22: {  	[tilespmem:s13+$0x16000] =	vst v0  }
0x23: {  	[tilespmem:s13+$0x16010] =	vst v0  }
0x24: {  	[tilespmem:s13+$0x16020] =	vst v0  }
0x25: {  	[tilespmem:s13+$0x16030] =	vst v0  }
0x26: {  	[tilespmem:s13+$0x16040] =	vst v0  }
0x27: {  	[tilespmem:s13+$0x16050] =	vst v0  }
0x28: {  	[tilespmem:s13+$0x16060] =	vst v0  }
0x29: {  	[spmem:s7] =	stream.linear.scatter [tilespmem:s20], [sflag:$0x5], $0x2000, $0x38;
	[tilespmem:$0x1E000] =	vst v63  }
0x2a: {  	_ =	swait.ge [sflag:s21], $0x2000  }
0x2b: {  	[sflag:s21] =	ssyncset.done $0x0  }
0x2c: {  	s18 =	rddreg [dreg:$0x5];
	[sflag:s21] =	ssyncadd.s32 $0xFFFFE000  }
0x2d: {  	[spmem:s18] =	stream.linear.scatter [tilespmem:s20], [sflag:$0x5], $0x2000, $0x38;
	[tilespmem:$0x1E000] =	vst v63  }
0x2e: {  	_ =	swait.ge [sflag:s21], $0x2000  }
0x2f: {  	[sflag:s21] =	ssyncset.done $0x0  }
0x30: {  	s14 =	rddreg [dreg:$0x6];
	[sflag:s21] =	ssyncadd.s32 $0xFFFFE000  }
0x31: {  	[spmem:s14] =	stream.linear.scatter [tilespmem:s20], [sflag:$0x5], $0x2000, $0x38;
	[tilespmem:$0x1E000] =	vst v63  }
0x32: {  	_ =	swait.ge [sflag:s21], $0x2000  }
0x33: {  	[sflag:s21] =	ssyncset.done $0x0  }
0x34: {  	s15 =	rddreg [dreg:$0x7];
	[sflag:s21] =	ssyncadd.s32 $0xFFFFE000  }
0x35: {  	[spmem:s15] =	stream.linear.scatter [tilespmem:s20], [sflag:$0x5], $0x2000, $0x38;
	[tilespmem:$0x1E000] =	vst v63  }
0x36: {  	_ =	swait.ge [sflag:s21], $0x2000  }
0x37: {  	[sflag:s21] =	ssyncset.done $0x0  }
0x38: {  	s16 =	rddreg [dreg:$0x8];
	[sflag:s21] =	ssyncadd.s32 $0xFFFFE000  }
0x39: {  	[spmem:s16] =	stream.linear.scatter [tilespmem:s20], [sflag:$0x5], $0x2000, $0x38;
	[tilespmem:$0x1E000] =	vst v63  }
0x3a: {  	_ =	swait.ge [sflag:s21], $0x2000  }
0x3b: {  	[sflag:s21] =	ssyncset.done $0x0  }
0x3c: {  	s18 =	rddreg [dreg:$0x9];
	[sflag:s21] =	ssyncadd.s32 $0xFFFFE000  }
0x3d: {  	[spmem:s18] =	stream.linear.scatter [tilespmem:s20], [sflag:$0x5], $0x2000, $0x38;
	[tilespmem:$0x1E000] =	vst v63  }
0x3e: {  	_ =	swait.ge [sflag:s21], $0x2000  }
0x3f: {  	[sflag:s21] =	ssyncset.done $0x0  }
0x40: {  	s14 =	rddreg [dreg:$0xa];
	[sflag:s21] =	ssyncadd.s32 $0xFFFFE000  }
0x41: {  	[spmem:s14] =	stream.linear.scatter [tilespmem:s20], [sflag:$0x5], $0x2000, $0x38;
	[tilespmem:$0x1E000] =	vst v63  }
0x42: {  	_ =	swait.ge [sflag:s21], $0x2000  }
0x43: {  	[sflag:s21] =	ssyncset.done $0x0  }
0x44: {  	s15 =	rddreg [dreg:$0xb];
	[sflag:s21] =	ssyncadd.s32 $0xFFFFE000  }
0x45: {  	[spmem:s15] =	stream.linear.scatter [tilespmem:s20], [sflag:$0x5], $0x2000, $0x38;
	[tilespmem:$0x1E000] =	vst v63  }
0x46: {  	_ =	swait.ge [sflag:s21], $0x2000  }
0x47: {  	[sflag:s21] =	ssyncset.done $0x0  }
0x48: {  	s16 =	rddreg [dreg:$0xc];
	[sflag:s21] =	ssyncadd.s32 $0xFFFFE000  }
0x49: {  	[spmem:s16] =	stream.linear.scatter [tilespmem:s20], [sflag:$0x5], $0x2000, $0x38;
	[tilespmem:$0x1E000] =	vst v63  }
0x4a: {  	_ =	swait.ge [sflag:s21], $0x2000  }
0x4b: {  	[sflag:s21] =	ssyncset.done $0x0  }
0x4c: {  	s18 =	rddreg [dreg:$0xd];
	[sflag:s21] =	ssyncadd.s32 $0xFFFFE000  }
0x4d: {  	[spmem:s18] =	stream.linear.scatter [tilespmem:s20], [sflag:$0x5], $0x2000, $0x38;
	[tilespmem:$0x1E000] =	vst v63  }
0x4e: {  	_ =	swait.ge [sflag:s21], $0x2000  }
0x4f: {  	[sflag:s21] =	ssyncset.done $0x0  }
0x50: {  	[sflag:s21] =	ssyncadd.s32 $0xFFFFE000  }
0x51: {  	s13 =	simm.s32 $0x0;
	s14 =	simm.s32 $0x0;
	[bflag:$0x0] =	sbarrier.arrive $0xFFFF  }
.LBB2_4:
0x52: {  	s15 =	sshll.u32 s14, $0xC  }
0x53: {  	s15 =	sadd.s32 s17, s15  }
0x54: {  	s15 =	sshrl.u32 s15, $0x3  }
0x55: {  	s16 =	sadd.s32 s2, s15  }
0x56: {  	[tilespmem:s13], [sflag:$0x5] =	stream.linear.gather [hbm4b:s16+s13], $0x1000, $0x38;
	[tilespmem:$0x1E000] =	vst v63  }
0x57: {  	_ =	swait.ge [sflag:s21], $0x1000  }
0x58: {  	[sflag:s21] =	ssyncset.done $0x0  }
0x59: {  	s15 =	sadd.s32 s6, s15;
	[sflag:s21] =	ssyncadd.s32 $0xFFFFF000  }
0x5a: {  	[tilespmem:s22], [sflag:$0x5] =	stream.linear.gather [hbm4b:s15+s13], $0x1000, $0x38;
	[tilespmem:$0x1E000] =	vst v63  }
0x5b: {  	_ =	swait.ge [sflag:s21], $0x1000  }
0x5c: {  	[sflag:s21] =	ssyncset.done $0x0  }
0x5d: {  	[sflag:s21] =	ssyncadd.s32 $0xFFFFF000  }
0x5e: {  	[tilespmem:s20], [sflag:$0x1] =	stream.indirect.gather [hbm4b:s0+s23], $0x80, s13, s23, $0xb8;
	[tilespmem:$0x1E000] =	vst v63  }
0x5f: {  	_ = 	snop  }
0x60: {  	[tilespmem:s25], [sflag:$0x2] =	stream.indirect.gather [hbm4b:s0+s23], $0x80, s24, s23, $0xb8;
	[tilespmem:$0x1E000] =	vst v63  }
0x61: {  	_ = 	snop  }
0x62: {  	[tilespmem:s28], [sflag:$0x3] =	stream.indirect.gather [hbm4b:s0+s23], $0x80, s26, s23, $0xb8;
	[tilespmem:$0x1E000] =	vst v63  }
0x63: {  	_ = 	snop  }
0x64: {  	[tilespmem:s30], [sflag:$0x4] =	stream.indirect.gather [hbm4b:s0+s23], $0x80, s29, s23, $0xb8;
	[tilespmem:$0x1E000] =	vst v63  }
0x65: {  	_ =	swait.ge [sflag:s31], $0x2000  }
0x66: {  	[sflag:s31] =	ssyncset.done $0x0  }
0x67: {  	s18 =	simm.s32 $0x1000;
	[sflag:s31] =	ssyncadd.s32 $0xFFFFE000  }
0x68: {  	[spmem:s4] =	stream.indirect.scatter.add.f32 [tilespmem:s20], [sflag:$0x5], $0x80, s18, s23, $0xb8;
	[tilespmem:$0x1E000] =	vst v63  }
0x69: {  	_ =	swait.ge [sflag:s21], $0x2000  }
0x6a: {  	[sflag:s21] =	ssyncset.done $0x0  }
0x6b: {  	s16 =	simm.s32 $0x200;
	[sflag:s21] =	ssyncadd.s32 $0xFFFFE000  }
0x6c: {  	[tilespmem:s20], [sflag:$0x1] =	stream.indirect.gather [hbm4b:s0+s23], $0x80, s16, s23, $0xb8;
	[tilespmem:$0x1E000] =	vst v63  }
0x6d: {  	_ =	swait.ge [sflag:s3], $0x2000  }
0x6e: {  	[sflag:s3] =	ssyncset.done $0x0  }
0x6f: {  	s18 =	simm.s32 $0x1080;
	[sflag:s3] =	ssyncadd.s32 $0xFFFFE000  }
0x70: {  	[spmem:s4] =	stream.indirect.scatter.add.f32 [tilespmem:s25], [sflag:$0x5], $0x80, s18, s23, $0xb8;
	[tilespmem:$0x1E000] =	vst v63  }
0x71: {  	_ =	swait.ge [sflag:s21], $0x2000  }
0x72: {  	[sflag:s21] =	ssyncset.done $0x0  }
0x73: {  	s16 =	simm.s32 $0x280;
	[sflag:s21] =	ssyncadd.s32 $0xFFFFE000  }
0x74: {  	[tilespmem:s25], [sflag:$0x2] =	stream.indirect.gather [hbm4b:s0+s23], $0x80, s16, s23, $0xb8;
	[tilespmem:$0x1E000] =	vst v63  }
0x75: {  	_ =	swait.ge [sflag:s1], $0x2000  }
0x76: {  	[sflag:s1] =	ssyncset.done $0x0  }
0x77: {  	s18 =	simm.s32 $0x1100;
	[sflag:s1] =	ssyncadd.s32 $0xFFFFE000  }
0x78: {  	[spmem:s4] =	stream.indirect.scatter.add.f32 [tilespmem:s28], [sflag:$0x5], $0x80, s18, s23, $0xb8;
	[tilespmem:$0x1E000] =	vst v63  }
0x79: {  	_ =	swait.ge [sflag:s21], $0x2000  }
0x7a: {  	[sflag:s21] =	ssyncset.done $0x0  }
0x7b: {  	s16 =	simm.s32 $0x300;
	[sflag:s21] =	ssyncadd.s32 $0xFFFFE000  }
0x7c: {  	[tilespmem:s28], [sflag:$0x3] =	stream.indirect.gather [hbm4b:s0+s23], $0x80, s16, s23, $0xb8;
	[tilespmem:$0x1E000] =	vst v63  }
0x7d: {  	_ =	swait.ge [sflag:s8], $0x2000  }
0x7e: {  	[sflag:s8] =	ssyncset.done $0x0  }
0x7f: {  	s18 =	simm.s32 $0x1180;
	[sflag:s8] =	ssyncadd.s32 $0xFFFFE000  }
0x80: {  	[spmem:s4] =	stream.indirect.scatter.add.f32 [tilespmem:s30], [sflag:$0x5], $0x80, s18, s23, $0xb8;
	[tilespmem:$0x1E000] =	vst v63  }
0x81: {  	_ =	swait.ge [sflag:s21], $0x2000  }
0x82: {  	[sflag:s21] =	ssyncset.done $0x0  }
0x83: {  	s15 =	simm.s32 $0x800;
	s16 =	simm.s32 $0x380;
	[sflag:s21] =	ssyncadd.s32 $0xFFFFE000  }
.LBB2_5:
0x84: {  	[tilespmem:s30], [sflag:$0x4] =	stream.indirect.gather [hbm4b:s0+s23], $0x80, s16, s23, $0xb8;
	[tilespmem:$0x1E000] =	vst v63  }
0x85: {  	s16 =	smov.u32 s15  }
0x86: {  	p0 =	sne.s32 s15, $0x3000;
	s15 =	sadd.s32 $0x800, s15;
	_ =	swait.ge [sflag:s31], $0x2000  }
0x87: {  	s16 =	sshra.s32 s16, $0x2;
	[sflag:s31] =	ssyncset.done $0x0  }
0x88: {  	s18 =	sadd.s32 $0x1000, s16;
	[sflag:s31] =	ssyncadd.s32 $0xFFFFE000  }
0x89: {  	[spmem:s4] =	stream.indirect.scatter.add.f32 [tilespmem:s20], [sflag:$0x5], $0x80, s18, s23, $0xb8;
	[tilespmem:$0x1E000] =	vst v63  }
0x8a: {  	_ =	swait.ge [sflag:s21], $0x2000  }
0x8b: {  	[sflag:s21] =	ssyncset.done $0x0  }
0x8c: {  	s18 =	sadd.s32 $0x200, s16;
	[sflag:s21] =	ssyncadd.s32 $0xFFFFE000  }
0x8d: {  	[tilespmem:s20], [sflag:$0x1] =	stream.indirect.gather [hbm4b:s0+s23], $0x80, s18, s23, $0xb8;
	[tilespmem:$0x1E000] =	vst v63  }
0x8e: {  	_ =	swait.ge [sflag:s3], $0x2000  }
0x8f: {  	[sflag:s3] =	ssyncset.done $0x0  }
0x90: {  	s18 =	sadd.s32 $0x1080, s16;
	[sflag:s3] =	ssyncadd.s32 $0xFFFFE000  }
0x91: {  	[spmem:s4] =	stream.indirect.scatter.add.f32 [tilespmem:s25], [sflag:$0x5], $0x80, s18, s23, $0xb8;
	[tilespmem:$0x1E000] =	vst v63  }
0x92: {  	_ =	swait.ge [sflag:s21], $0x2000  }
0x93: {  	[sflag:s21] =	ssyncset.done $0x0  }
0x94: {  	s18 =	sadd.s32 $0x280, s16;
	[sflag:s21] =	ssyncadd.s32 $0xFFFFE000  }
0x95: {  	[tilespmem:s25], [sflag:$0x2] =	stream.indirect.gather [hbm4b:s0+s23], $0x80, s18, s23, $0xb8;
	[tilespmem:$0x1E000] =	vst v63  }
0x96: {  	_ =	swait.ge [sflag:s1], $0x2000  }
0x97: {  	[sflag:s1] =	ssyncset.done $0x0  }
0x98: {  	s18 =	sadd.s32 $0x1100, s16;
	[sflag:s1] =	ssyncadd.s32 $0xFFFFE000  }
0x99: {  	[spmem:s4] =	stream.indirect.scatter.add.f32 [tilespmem:s28], [sflag:$0x5], $0x80, s18, s23, $0xb8;
	[tilespmem:$0x1E000] =	vst v63  }
0x9a: {  	_ =	swait.ge [sflag:s21], $0x2000  }
0x9b: {  	[sflag:s21] =	ssyncset.done $0x0  }
0x9c: {  	s18 =	sadd.s32 $0x300, s16;
	[sflag:s21] =	ssyncadd.s32 $0xFFFFE000  }
0x9d: {  	[tilespmem:s28], [sflag:$0x3] =	stream.indirect.gather [hbm4b:s0+s23], $0x80, s18, s23, $0xb8;
	[tilespmem:$0x1E000] =	vst v63  }
0x9e: {  	_ =	swait.ge [sflag:s8], $0x2000  }
0x9f: {  	[sflag:s8] =	ssyncset.done $0x0  }
.Ltmp1:
0xa0: {  	s18 =	sadd.s32 $0x1180, s16;
	[sflag:s8] =	ssyncadd.s32 $0xFFFFE000;
	(pc) =	sbr.rel @p0 .LBB2_5-.Ltmp1, $4  }
0xa1: {  	[spmem:s4] =	stream.indirect.scatter.add.f32 [tilespmem:s30], [sflag:$0x5], $0x80, s18, s23, $0xb8;
	[tilespmem:$0x1E000] =	vst v63  }
0xa2: {  	_ =	swait.ge [sflag:s21], $0x2000  }
0xa3: {  	[sflag:s21] =	ssyncset.done $0x0  }
0xa4: {  	s16 =	sadd.s32 $0x380, s16;
	[sflag:s21] =	ssyncadd.s32 $0xFFFFE000  }
0xa5: {  	[tilespmem:s30], [sflag:$0x4] =	stream.indirect.gather [hbm4b:s0+s23], $0x80, s16, s23, $0xb8;
	[tilespmem:$0x1E000] =	vst v63  }
0xa6: {  	_ =	swait.ge [sflag:s31], $0x2000  }
0xa7: {  	[sflag:s31] =	ssyncset.done $0x0  }
0xa8: {  	[sflag:s31] =	ssyncadd.s32 $0xFFFFE000  }
0xa9: {  	[spmem:s4] =	stream.indirect.scatter.add.f32 [tilespmem:s20], [sflag:$0x5], $0x80, s9, s23, $0xb8;
	[tilespmem:$0x1E000] =	vst v63  }
0xaa: {  	_ =	swait.ge [sflag:s21], $0x2000  }
0xab: {  	[sflag:s21] =	ssyncset.done $0x0  }
0xac: {  	[sflag:s21] =	ssyncadd.s32 $0xFFFFE000  }
0xad: {  	_ =	swait.ge [sflag:s3], $0x2000  }
0xae: {  	[sflag:s3] =	ssyncset.done $0x0  }
0xaf: {  	[sflag:s3] =	ssyncadd.s32 $0xFFFFE000  }
0xb0: {  	[spmem:s4] =	stream.indirect.scatter.add.f32 [tilespmem:s25], [sflag:$0x5], $0x80, s10, s23, $0xb8;
	[tilespmem:$0x1E000] =	vst v63  }
0xb1: {  	_ =	swait.ge [sflag:s21], $0x2000  }
0xb2: {  	[sflag:s21] =	ssyncset.done $0x0  }
0xb3: {  	[sflag:s21] =	ssyncadd.s32 $0xFFFFE000  }
0xb4: {  	_ =	swait.ge [sflag:s1], $0x2000  }
0xb5: {  	[sflag:s1] =	ssyncset.done $0x0  }
0xb6: {  	[sflag:s1] =	ssyncadd.s32 $0xFFFFE000  }
0xb7: {  	[spmem:s4] =	stream.indirect.scatter.add.f32 [tilespmem:s28], [sflag:$0x5], $0x80, s11, s23, $0xb8;
	[tilespmem:$0x1E000] =	vst v63  }
0xb8: {  	_ =	swait.ge [sflag:s21], $0x2000  }
0xb9: {  	[sflag:s21] =	ssyncset.done $0x0  }
0xba: {  	[sflag:s21] =	ssyncadd.s32 $0xFFFFE000  }
0xbb: {  	s14 =	sadd.s32 $0x1, s14;
	_ =	swait.ge [sflag:s8], $0x2000  }
0xbc: {  	p0 =	sne.s32 s14, $0x5;
	[sflag:s8] =	ssyncset.done $0x0  }
.Ltmp2:
0xbd: {  	[sflag:s8] =	ssyncadd.s32 $0xFFFFE000;
	(pc) =	sbr.rel @p0 .LBB2_4-.Ltmp2, $4  }
0xbe: {  	[spmem:s4] =	stream.indirect.scatter.add.f32 [tilespmem:s30], [sflag:$0x5], $0x80, s12, s23, $0xb8;
	[tilespmem:$0x1E000] =	vst v63  }
0xbf: {  	_ =	swait.ge [sflag:s21], $0x2000  }
0xc0: {  	[sflag:s21] =	ssyncset.done $0x0  }
0xc1: {  	[sflag:s21] =	ssyncadd.s32 $0xFFFFE000  }
0xc2: {  	s13 =	stileid.u32;
	[bflag:$0x0] =	sbarrier.arrive $0xFFFF;
	s5 =	sadd.s32 $0x1, s5  }
0xc3: {  	s14 =	sshrl.u32 s7, $0x3;
	s13 =	sshll.u32 s13, $0x6;
	p0 =	sne.s32 s5, s19  }
.Ltmp3:
0xc4: {  	s15 =	rddreg [dreg:$0xe];
	s13 =	sor.u32 $0x1C05, s13;
	(pc) =	sbr.rel @p0 .LBB2_1-.Ltmp3, $4  }
0xc5: {  	[hbm:s15], [sflag:s13] =	dma.local [spmem:s14], $0x2800  }
0xc6: {  	_ =	swait.ge [sflag:s21], $0x2800  }
0xc7: {  	[sflag:s21] =	ssyncset.done $0x0  }
0xc8: {  	[sflag:s21] =	ssyncadd.s32 $0xFFFFD800  }
0xc9: {  	_ =	sfence.sel $0x180000  }
0xca: {  	[bflag:$0x0] =	sbarrier.arrive $0xFFFF  }
0xcb: {  	_ =	strace $0x90000047  }
0xcc: {  	s0 =	stileid.u32;
	[bflag:$0x2] =	sbarrier.arrive $0xFFFF  }
0xcd: {  	p0 =	sne.s32 s0, $0x0;
	s0 =	rddreg [dreg:$0x4]  }
0xce: {  	s0 =	sadd.s32 @!p0 $0x100000, s0  }
0xcf: {  	[sflag:s0] =	ssyncadd.tile.s32 @!p0 $0x1;
	_ =	shalt  }
.Lfunc_end2:
_tile_overlayer_lowered:
.L_overlay_start_2:
0xd0: {  	(tag) =	ssettag $0x2  }
0xd1: {  	s0 =	rddreg [dreg:$0x0];
	s2 =	stileid.u32  }
0xd2: {  	s1 =	rddreg [dreg:$0x1];
	p0 =	sne.s32 s2, $0x0  }
0xd3: {  	s3 =	rddreg [dreg:$0x2];
	[bflag:$0x3] =	sbarrier.arrive $0xFFFF;
	s2 =	simm.s32 @!p0 $0x1C05  }
0xd4: {  	[timem:s3], [sflag:s2] =	dma.local @!p0 [hbm:s0], s1  }
0xd5: {  	s0 =	simm.s32 @!p0 $0x5  }
0xd6: {  	_ =	swait.ge @!p0 [sflag:s0], s1  }
0xd7: {  	s1 =	ssub.s32 @!p0 $0x0, s1;
	[sflag:s0] =	ssyncset.done @!p0 $0x0  }
0xd8: {  	[sflag:s0] =	ssyncadd.s32 @!p0 s1  }
0xd9: {  	[bflag:$0x3] =	sbarrier.arrive $0xFFFF  }
0xda: {  	_ =	shalt  }

</sc_bundles>
